<compile_context>
chip_gen: v7x
topology: tpu7x:2x2x1
jax: 0.10.2.dev20260603
libtpu: 0.0.44.dev20260713+nightly
codegen_flags: <defaults>
</compile_context>

<pallas_src>
import functools

import jax
import jax.numpy as jnp
from jax import lax
from jax.experimental import pallas as pl
from jax.experimental.pallas import tpu as pltpu
from jax.experimental.pallas import tpu_sc as plsc

PADDING_IDX = 0
CHUNK = 32
NBUF = 2


@functools.lru_cache(maxsize=None)
def _build(bsz, seq_len, emb):
    info = plsc.get_sparse_core_info()
    nc, ns, lanes = info.num_cores, info.num_subcores, info.num_lanes
    nw = nc * ns
    ntok = bsz * seq_len
    per_w = seq_len // nw
    assert seq_len % nw == 0 and per_w % CHUNK == 0 and CHUNK % lanes == 0
    nchunks = per_w // CHUNK
    assert nchunks % NBUF == 0
    ngroups = nchunks // NBUF
    mesh = plsc.VectorSubcoreMesh(core_axis_name="c", subcore_axis_name="s")

    scratch = [
        pltpu.VMEM((bsz * per_w,), jnp.int32),
        pltpu.VMEM((per_w,), jnp.int32),
        pltpu.VMEM((lanes, emb), jnp.float32),
    ]
    scratch += [pltpu.VMEM((CHUNK, emb), jnp.float32) for _ in range(NBUF)]
    scratch += [pltpu.SemaphoreType.DMA for _ in range(2 * NBUF + 1)]

    @functools.partial(
        pl.kernel,
        mesh=mesh,
        out_type=jax.ShapeDtypeStruct((ntok, emb), jnp.float32),
        scratch_types=scratch,
    )
    def k(inp_hbm, w_hbm, pos_hbm, out_hbm, tok_v, ridx_v, frows_v, *rest):
        rows = rest[:NBUF]
        gsems = rest[NBUF:2 * NBUF]
        ssems = rest[2 * NBUF:3 * NBUF]
        fsem = rest[3 * NBUF]
        wid = lax.axis_index("s") * nc + lax.axis_index("c")
        s0 = wid * per_w

        for b in range(bsz):
            pltpu.sync_copy(inp_hbm.at[pl.ds(b * seq_len + s0, per_w)],
                            tok_v.at[pl.ds(b * per_w, per_w)])
        pltpu.sync_copy(pos_hbm.at[pl.ds(s0, per_w)], ridx_v)

        lane_iota = lax.iota(jnp.int32, lanes)

        def start_gather(c, buf, gsem):
            t0 = pl.multiple_of(c * CHUNK, CHUNK)
            pltpu.async_copy(w_hbm.at[ridx_v.at[pl.ds(t0, CHUNK)]], buf, gsem)

        def wait_gather(buf, gsem):
            pltpu.make_async_copy(w_hbm.at[pl.ds(0, CHUNK)], buf, gsem).wait()

        def start_scatters(c, buf, ssem):
            for b in range(bsz):
                t0 = b * seq_len + s0 + c * CHUNK
                pltpu.async_copy(buf, out_hbm.at[pl.ds(t0, CHUNK)], ssem)

        def wait_scatters(buf, ssem):
            for _ in range(bsz):
                pltpu.make_async_copy(
                    buf, out_hbm.at[pl.ds(s0, CHUNK)], ssem).wait()

        for j in range(NBUF):
            start_gather(j, rows[j], gsems[j])

        def body(p, carry):
            for j in range(NBUF):
                c = NBUF * p + j
                wait_gather(rows[j], gsems[j])
                start_scatters(c, rows[j], ssems[j])
            @pl.when(p + 1 < ngroups)
            def _():
                for j in range(NBUF):
                    wait_scatters(rows[j], ssems[j])
                    start_gather(NBUF * (p + 1) + j, rows[j], gsems[j])
            return carry

        lax.fori_loop(0, ngroups, body, 0)
        for j in range(NBUF):
            wait_scatters(rows[j], ssems[j])

        def lane_min(v):
            for s in (1, 2, 4, 8):
                perm = jnp.bitwise_xor(lane_iota, s)
                shuf = lax.gather(
                    v, perm[:, None],
                    lax.GatherDimensionNumbers(
                        offset_dims=(), collapsed_slice_dims=(0,),
                        start_index_map=(0,)),
                    (1,), mode=lax.GatherScatterMode.PROMISE_IN_BOUNDS)
                v = jnp.minimum(v, shuf)
            return v

        def fix_group(g, carry):
            ts = [tok_v[pl.ds(b * per_w + g * lanes, lanes)]
                  for b in range(bsz)]
            comb = ts[0]
            for t in ts[1:]:
                comb = jnp.minimum(comb, t)
            trows = lane_iota + (s0 + g * lanes + 1)
            @pl.when(lane_min(comb)[0] == PADDING_IDX)
            def _():
                for b in range(bsz):
                    mask = ts[b] == PADDING_IDX
                    @pl.when(lane_min(ts[b])[0] == PADDING_IDX)
                    def _(b=b, mask=mask):
                        fidx = jnp.where(mask, PADDING_IDX, trows)
                        pltpu.async_copy(
                            w_hbm.at[fidx], frows_v, fsem).wait()
                        pltpu.async_copy(
                            frows_v,
                            out_hbm.at[pl.ds(
                                b * seq_len + s0 + g * lanes, lanes)],
                            fsem).wait()
            return carry

        lax.fori_loop(0, per_w // lanes, fix_group, 0)

    return k


def kernel(input, weights):
    bsz, seq_len = input.shape
    emb = weights.shape[1]
    pos = jnp.arange(1, seq_len + 1, dtype=jnp.int32)
    out = _build(bsz, seq_len, emb)(input.reshape(-1), weights, pos)
    return out.reshape(bsz, seq_len, emb)

# --- scband reference (transcript-rebuilt; emitter-appended) ---
"""Pipeline reference for scband-sinusoidal-positional-embedding-24395414242029 (READ-ONLY COPY).

The authoritative reference and input builder live on the scoring server;
editing this copy changes nothing except your own understanding.
"""

import jax, jax.numpy as jnp
import numpy as np
import math

EMBEDDING_DIM = 1024
PADDING_IDX = 0
BSZ = 4
SEQ_LEN = 8192


def get_embedding(num_embeddings, embedding_dim, padding_idx=None):
    half_dim = embedding_dim // 2
    emb_scale = math.log(10000) / (half_dim - 1)
    emb = jnp.exp(jnp.arange(half_dim, dtype=jnp.float32) * -emb_scale)
    emb = jnp.arange(num_embeddings, dtype=jnp.float32)[:, None] * emb[None, :]
    emb = jnp.concatenate([jnp.sin(emb), jnp.cos(emb)], axis=1).reshape(num_embeddings, -1)
    if embedding_dim % 2 == 1:
        emb = jnp.concatenate([emb, jnp.zeros((num_embeddings, 1), dtype=jnp.float32)], axis=1)
    if padding_idx is not None:
        emb = emb.at[padding_idx].set(0.0)
    return emb


def setup_inputs(seed: int = 0) -> dict:
    key = jax.random.key(seed)
    k1, _ = jax.random.split(key)
    inp = jax.random.randint(k1, (BSZ, SEQ_LEN), 0, 32000, dtype=jnp.int32)
    max_pos = PADDING_IDX + 1 + SEQ_LEN
    weights = get_embedding(max_pos, EMBEDDING_DIM, PADDING_IDX)
    return {"input": inp, "weights": weights}


def reference(input, weights):
    bsz, seq_len = input.shape
    # make_positions with left_pad=False: non-padding tokens get positions
    # padding_idx+1 .. padding_idx+seq_len; padding tokens keep padding_idx value.
    range_pos = jnp.arange(PADDING_IDX + 1, PADDING_IDX + 1 + seq_len, dtype=jnp.int32)[None, :]
    mask = input != PADDING_IDX
    positions = jnp.where(mask, jnp.broadcast_to(range_pos, input.shape), input)
    out = jnp.take(weights, positions.reshape(-1), axis=0).reshape(bsz, seq_len, -1)
    return out

if __name__ == "__main__":
    import jax
    _d = setup_inputs()
    print(jax.jit(kernel)(*tuple(_d.values())))

</pallas_src>

<mosaic_0001>
#map = affine_map<(d0, d1) -> (0)>
#map1 = affine_map<(d0, d1) -> (0, 0)>
module attributes {stable_mosaic.version = 14 : i64} {
  func.func @k(%arg0: i32, %arg1: i32, %arg2: memref<32768xi32, #tpu.memory_space<hbm>>, %arg3: memref<8193x1024xf32, #tpu.memory_space<hbm>>, %arg4: memref<8192xi32, #tpu.memory_space<hbm>>, %arg5: memref<32768x1024xf32, #tpu.memory_space<hbm>>, %arg6: memref<1024xi32, #tpu.memory_space<vmem>>, %arg7: memref<256xi32, #tpu.memory_space<vmem>>, %arg8: memref<16x1024xf32, #tpu.memory_space<vmem>>, %arg9: memref<32x1024xf32, #tpu.memory_space<vmem>>, %arg10: memref<32x1024xf32, #tpu.memory_space<vmem>>, %arg11: memref<!tpu.dma_semaphore, #tpu.memory_space<semaphore_mem>>, %arg12: memref<!tpu.dma_semaphore, #tpu.memory_space<semaphore_mem>>, %arg13: memref<!tpu.dma_semaphore, #tpu.memory_space<semaphore_mem>>, %arg14: memref<!tpu.dma_semaphore, #tpu.memory_space<semaphore_mem>>, %arg15: memref<!tpu.dma_semaphore, #tpu.memory_space<semaphore_mem>>) attributes {dimension_semantics = [#tpu.dimension_semantics<core_parallel>, #tpu.dimension_semantics<subcore_parallel>], iteration_bounds = array<i64: 2, 16>, scalar_prefetch = 0 : i64, scratch_operands = 10 : i64, tpu.core_type = #tpu.core_type<sc_vector_subcore>, window_params = [{transform_indices = #map}, {transform_indices = #map1}, {transform_indices = #map}, {transform_indices = #map1}]} {
    %mul3A = arith.constant 2 : i32
    %mul3A_0 = arith.muli %arg1, %mul3A : i32
    %add3A = arith.addi %mul3A_0, %arg0 : i32
    %mul3A_1 = arith.constant 256 : i32
    %mul3A_2 = arith.muli %add3A, %mul3A_1 : i32
    %add3A_3 = arith.constant 0 : i32
    %add3A_4 = arith.addi %add3A_3, %mul3A_2 : i32
    "tpu.region"() ({
      %run_scoped3A = tpu.sem_alloc : memref<!tpu.dma_semaphore, #tpu.memory_space<semaphore_mem>>
      %dma_start3A_63 = arith.constant 0 : i32
      %dma_start3A_64 = tpu.memref_slice %arg6[%dma_start3A_63] : memref<1024xi32, #tpu.memory_space<vmem>> -> memref<256xi32, #tpu.memory_space<vmem>>
      %dma_start3A_65 = tpu.memref_slice %arg2[%add3A_4] : memref<32768xi32, #tpu.memory_space<hbm>> -> memref<256xi32, #tpu.memory_space<hbm>>
      %dma_start3A_66 = arith.constant 0 : i32
      %dma_start3A_67 = tpu.memref_slice %arg6[%dma_start3A_66] : memref<1024xi32, #tpu.memory_space<vmem>> -> memref<256xi32, #tpu.memory_space<vmem>>
      %dma_start3A_68 = tpu.memref_slice %arg2[%add3A_4] : memref<32768xi32, #tpu.memory_space<hbm>> -> memref<256xi32, #tpu.memory_space<hbm>>
      tpu.enqueue_dma source(%dma_start3A_68 : memref<256xi32, #tpu.memory_space<hbm>>) target(%dma_start3A_67 : memref<256xi32, #tpu.memory_space<vmem>>) target_semaphore(%run_scoped3A : memref<!tpu.dma_semaphore, #tpu.memory_space<semaphore_mem>>)
      %dma_wait3A_69 = arith.constant 0 : i32
      %dma_wait3A_70 = tpu.memref_slice %arg6[%dma_wait3A_69] : memref<1024xi32, #tpu.memory_space<vmem>> -> memref<256xi32, #tpu.memory_space<vmem>>
      %dma_wait3A_71 = tpu.memref_slice %arg2[%add3A_4] : memref<32768xi32, #tpu.memory_space<hbm>> -> memref<256xi32, #tpu.memory_space<hbm>>
      %dma_wait3A_72 = arith.constant 0 : i32
      %dma_wait3A_73 = tpu.memref_slice %arg6[%dma_wait3A_72] : memref<1024xi32, #tpu.memory_space<vmem>> -> memref<256xi32, #tpu.memory_space<vmem>>
      %dma_wait3A_74 = tpu.memref_slice %arg2[%add3A_4] : memref<32768xi32, #tpu.memory_space<hbm>> -> memref<256xi32, #tpu.memory_space<hbm>>
      tpu.wait_dma2 semaphore(%run_scoped3A : memref<!tpu.dma_semaphore, #tpu.memory_space<semaphore_mem>>) src(%dma_wait3A_74 : memref<256xi32, #tpu.memory_space<hbm>>) dst(%dma_wait3A_73 : memref<256xi32, #tpu.memory_space<vmem>>)
      tpu.yield
    }) : () -> ()
    %add3A_5 = arith.constant 8192 : i32
    %add3A_6 = arith.addi %add3A_5, %mul3A_2 : i32
    "tpu.region"() ({
      %run_scoped3A = tpu.sem_alloc : memref<!tpu.dma_semaphore, #tpu.memory_space<semaphore_mem>>
      %dma_start3A_63 = arith.constant 256 : i32
      %dma_start3A_64 = tpu.memref_slice %arg6[%dma_start3A_63] : memref<1024xi32, #tpu.memory_space<vmem>> -> memref<256xi32, #tpu.memory_space<vmem>>
      %dma_start3A_65 = tpu.memref_slice %arg2[%add3A_6] : memref<32768xi32, #tpu.memory_space<hbm>> -> memref<256xi32, #tpu.memory_space<hbm>>
      %dma_start3A_66 = arith.constant 256 : i32
      %dma_start3A_67 = tpu.memref_slice %arg6[%dma_start3A_66] : memref<1024xi32, #tpu.memory_space<vmem>> -> memref<256xi32, #tpu.memory_space<vmem>>
      %dma_start3A_68 = tpu.memref_slice %arg2[%add3A_6] : memref<32768xi32, #tpu.memory_space<hbm>> -> memref<256xi32, #tpu.memory_space<hbm>>
      tpu.enqueue_dma source(%dma_start3A_68 : memref<256xi32, #tpu.memory_space<hbm>>) target(%dma_start3A_67 : memref<256xi32, #tpu.memory_space<vmem>>) target_semaphore(%run_scoped3A : memref<!tpu.dma_semaphore, #tpu.memory_space<semaphore_mem>>)
      %dma_wait3A_69 = arith.constant 256 : i32
      %dma_wait3A_70 = tpu.memref_slice %arg6[%dma_wait3A_69] : memref<1024xi32, #tpu.memory_space<vmem>> -> memref<256xi32, #tpu.memory_space<vmem>>
      %dma_wait3A_71 = tpu.memref_slice %arg2[%add3A_6] : memref<32768xi32, #tpu.memory_space<hbm>> -> memref<256xi32, #tpu.memory_space<hbm>>
      %dma_wait3A_72 = arith.constant 256 : i32
      %dma_wait3A_73 = tpu.memref_slice %arg6[%dma_wait3A_72] : memref<1024xi32, #tpu.memory_space<vmem>> -> memref<256xi32, #tpu.memory_space<vmem>>
      %dma_wait3A_74 = tpu.memref_slice %arg2[%add3A_6] : memref<32768xi32, #tpu.memory_space<hbm>> -> memref<256xi32, #tpu.memory_space<hbm>>
      tpu.wait_dma2 semaphore(%run_scoped3A : memref<!tpu.dma_semaphore, #tpu.memory_space<semaphore_mem>>) src(%dma_wait3A_74 : memref<256xi32, #tpu.memory_space<hbm>>) dst(%dma_wait3A_73 : memref<256xi32, #tpu.memory_space<vmem>>)
      tpu.yield
    }) : () -> ()
    %add3A_7 = arith.constant 16384 : i32
    %add3A_8 = arith.addi %add3A_7, %mul3A_2 : i32
    "tpu.region"() ({
      %run_scoped3A = tpu.sem_alloc : memref<!tpu.dma_semaphore, #tpu.memory_space<semaphore_mem>>
      %dma_start3A_63 = arith.constant 512 : i32
      %dma_start3A_64 = tpu.memref_slice %arg6[%dma_start3A_63] : memref<1024xi32, #tpu.memory_space<vmem>> -> memref<256xi32, #tpu.memory_space<vmem>>
      %dma_start3A_65 = tpu.memref_slice %arg2[%add3A_8] : memref<32768xi32, #tpu.memory_space<hbm>> -> memref<256xi32, #tpu.memory_space<hbm>>
      %dma_start3A_66 = arith.constant 512 : i32
      %dma_start3A_67 = tpu.memref_slice %arg6[%dma_start3A_66] : memref<1024xi32, #tpu.memory_space<vmem>> -> memref<256xi32, #tpu.memory_space<vmem>>
      %dma_start3A_68 = tpu.memref_slice %arg2[%add3A_8] : memref<32768xi32, #tpu.memory_space<hbm>> -> memref<256xi32, #tpu.memory_space<hbm>>
      tpu.enqueue_dma source(%dma_start3A_68 : memref<256xi32, #tpu.memory_space<hbm>>) target(%dma_start3A_67 : memref<256xi32, #tpu.memory_space<vmem>>) target_semaphore(%run_scoped3A : memref<!tpu.dma_semaphore, #tpu.memory_space<semaphore_mem>>)
      %dma_wait3A_69 = arith.constant 512 : i32
      %dma_wait3A_70 = tpu.memref_slice %arg6[%dma_wait3A_69] : memref<1024xi32, #tpu.memory_space<vmem>> -> memref<256xi32, #tpu.memory_space<vmem>>
      %dma_wait3A_71 = tpu.memref_slice %arg2[%add3A_8] : memref<32768xi32, #tpu.memory_space<hbm>> -> memref<256xi32, #tpu.memory_space<hbm>>
      %dma_wait3A_72 = arith.constant 512 : i32
      %dma_wait3A_73 = tpu.memref_slice %arg6[%dma_wait3A_72] : memref<1024xi32, #tpu.memory_space<vmem>> -> memref<256xi32, #tpu.memory_space<vmem>>
      %dma_wait3A_74 = tpu.memref_slice %arg2[%add3A_8] : memref<32768xi32, #tpu.memory_space<hbm>> -> memref<256xi32, #tpu.memory_space<hbm>>
      tpu.wait_dma2 semaphore(%run_scoped3A : memref<!tpu.dma_semaphore, #tpu.memory_space<semaphore_mem>>) src(%dma_wait3A_74 : memref<256xi32, #tpu.memory_space<hbm>>) dst(%dma_wait3A_73 : memref<256xi32, #tpu.memory_space<vmem>>)
      tpu.yield
    }) : () -> ()
    %add3A_9 = arith.constant 24576 : i32
    %add3A_10 = arith.addi %add3A_9, %mul3A_2 : i32
    "tpu.region"() ({
      %run_scoped3A = tpu.sem_alloc : memref<!tpu.dma_semaphore, #tpu.memory_space<semaphore_mem>>
      %dma_start3A_63 = arith.constant 768 : i32
      %dma_start3A_64 = tpu.memref_slice %arg6[%dma_start3A_63] : memref<1024xi32, #tpu.memory_space<vmem>> -> memref<256xi32, #tpu.memory_space<vmem>>
      %dma_start3A_65 = tpu.memref_slice %arg2[%add3A_10] : memref<32768xi32, #tpu.memory_space<hbm>> -> memref<256xi32, #tpu.memory_space<hbm>>
      %dma_start3A_66 = arith.constant 768 : i32
      %dma_start3A_67 = tpu.memref_slice %arg6[%dma_start3A_66] : memref<1024xi32, #tpu.memory_space<vmem>> -> memref<256xi32, #tpu.memory_space<vmem>>
      %dma_start3A_68 = tpu.memref_slice %arg2[%add3A_10] : memref<32768xi32, #tpu.memory_space<hbm>> -> memref<256xi32, #tpu.memory_space<hbm>>
      tpu.enqueue_dma source(%dma_start3A_68 : memref<256xi32, #tpu.memory_space<hbm>>) target(%dma_start3A_67 : memref<256xi32, #tpu.memory_space<vmem>>) target_semaphore(%run_scoped3A : memref<!tpu.dma_semaphore, #tpu.memory_space<semaphore_mem>>)
      %dma_wait3A_69 = arith.constant 768 : i32
      %dma_wait3A_70 = tpu.memref_slice %arg6[%dma_wait3A_69] : memref<1024xi32, #tpu.memory_space<vmem>> -> memref<256xi32, #tpu.memory_space<vmem>>
      %dma_wait3A_71 = tpu.memref_slice %arg2[%add3A_10] : memref<32768xi32, #tpu.memory_space<hbm>> -> memref<256xi32, #tpu.memory_space<hbm>>
      %dma_wait3A_72 = arith.constant 768 : i32
      %dma_wait3A_73 = tpu.memref_slice %arg6[%dma_wait3A_72] : memref<1024xi32, #tpu.memory_space<vmem>> -> memref<256xi32, #tpu.memory_space<vmem>>
      %dma_wait3A_74 = tpu.memref_slice %arg2[%add3A_10] : memref<32768xi32, #tpu.memory_space<hbm>> -> memref<256xi32, #tpu.memory_space<hbm>>
      tpu.wait_dma2 semaphore(%run_scoped3A : memref<!tpu.dma_semaphore, #tpu.memory_space<semaphore_mem>>) src(%dma_wait3A_74 : memref<256xi32, #tpu.memory_space<hbm>>) dst(%dma_wait3A_73 : memref<256xi32, #tpu.memory_space<vmem>>)
      tpu.yield
    }) : () -> ()
    "tpu.region"() ({
      %run_scoped3A = tpu.sem_alloc : memref<!tpu.dma_semaphore, #tpu.memory_space<semaphore_mem>>
      %dma_start3A_63 = tpu.memref_slice %arg4[%mul3A_2] : memref<8192xi32, #tpu.memory_space<hbm>> -> memref<256xi32, #tpu.memory_space<hbm>>
      %dma_start3A_64 = tpu.memref_slice %arg4[%mul3A_2] : memref<8192xi32, #tpu.memory_space<hbm>> -> memref<256xi32, #tpu.memory_space<hbm>>
      tpu.enqueue_dma source(%dma_start3A_64 : memref<256xi32, #tpu.memory_space<hbm>>) target(%arg7 : memref<256xi32, #tpu.memory_space<vmem>>) target_semaphore(%run_scoped3A : memref<!tpu.dma_semaphore, #tpu.memory_space<semaphore_mem>>)
      %dma_wait3A_65 = tpu.memref_slice %arg4[%mul3A_2] : memref<8192xi32, #tpu.memory_space<hbm>> -> memref<256xi32, #tpu.memory_space<hbm>>
      %dma_wait3A_66 = tpu.memref_slice %arg4[%mul3A_2] : memref<8192xi32, #tpu.memory_space<hbm>> -> memref<256xi32, #tpu.memory_space<hbm>>
      tpu.wait_dma2 semaphore(%run_scoped3A : memref<!tpu.dma_semaphore, #tpu.memory_space<semaphore_mem>>) src(%dma_wait3A_66 : memref<256xi32, #tpu.memory_space<hbm>>) dst(%arg7 : memref<256xi32, #tpu.memory_space<vmem>>)
      tpu.yield
    }) : () -> ()
    %iota3A = tpu.iota {dimensions = array<i32: 0>} : vector<16xi32>
    %multiple_of3A = arith.constant 0 : i32
    %multiple_of3A_11 = tpu.assume_multiple %multiple_of3A, 32 : i32
    %dma_start3A = tpu.memref_slice %arg7[%multiple_of3A_11] : memref<256xi32, #tpu.memory_space<vmem>> -> memref<32xi32, #tpu.memory_space<vmem>>
    %dma_start3A_12 = arith.constant 0 : i32
    %dma_start3A_13 = arith.constant 0 : i32
    %dma_start3A_14 = tpu.memref_slice %arg3[%dma_start3A_12, %dma_start3A_13] : memref<8193x1024xf32, #tpu.memory_space<hbm>> -> memref<8193x1024xf32, #tpu.memory_space<hbm>>
    tpu.enqueue_indirect_dma source(%dma_start3A_14 : memref<8193x1024xf32, #tpu.memory_space<hbm>>) target(%arg9 : memref<32x1024xf32, #tpu.memory_space<vmem>>) offsets(%dma_start3A : memref<32xi32, #tpu.memory_space<vmem>>) semaphore(%arg11 : memref<!tpu.dma_semaphore, #tpu.memory_space<semaphore_mem>>)
    %multiple_of3A_15 = arith.constant 32 : i32
    %multiple_of3A_16 = tpu.assume_multiple %multiple_of3A_15, 32 : i32
    %dma_start3A_17 = tpu.memref_slice %arg7[%multiple_of3A_16] : memref<256xi32, #tpu.memory_space<vmem>> -> memref<32xi32, #tpu.memory_space<vmem>>
    %dma_start3A_18 = arith.constant 0 : i32
    %dma_start3A_19 = arith.constant 0 : i32
    %dma_start3A_20 = tpu.memref_slice %arg3[%dma_start3A_18, %dma_start3A_19] : memref<8193x1024xf32, #tpu.memory_space<hbm>> -> memref<8193x1024xf32, #tpu.memory_space<hbm>>
    tpu.enqueue_indirect_dma source(%dma_start3A_20 : memref<8193x1024xf32, #tpu.memory_space<hbm>>) target(%arg10 : memref<32x1024xf32, #tpu.memory_space<vmem>>) offsets(%dma_start3A_17 : memref<32xi32, #tpu.memory_space<vmem>>) semaphore(%arg12 : memref<!tpu.dma_semaphore, #tpu.memory_space<semaphore_mem>>)
    %scan3A = arith.constant 0 : i32
    %scan3A_21 = arith.constant 0 : i32
    %scan3A_22 = arith.constant 4 : i32
    %scan3A_23 = arith.addi %scan3A_21, %scan3A_22 : i32
    %scan3A_24 = arith.constant 1 : i32
    scf.for %scan3A_63 = %scan3A_21 to %scan3A_23 step %scan3A_24  : i32 {
      %mul3A_64 = arith.constant 2 : i32
      %mul3A_65 = arith.muli %mul3A_64, %scan3A_63 : i32
      %add3A_66 = arith.constant 0 : i32
      %add3A_67 = arith.addi %mul3A_65, %add3A_66 : i32
      %dma_wait3A_68 = arith.constant 0 : i32
      %dma_wait3A_69 = arith.constant 0 : i32
      %dma_wait3A_70 = tpu.memref_slice %arg3[%dma_wait3A_68, %dma_wait3A_69] : memref<8193x1024xf32, #tpu.memory_space<hbm>> -> memref<32x1024xf32, #tpu.memory_space<hbm>>
      %dma_wait3A_71 = arith.constant 0 : i32
      %dma_wait3A_72 = arith.constant 0 : i32
      %dma_wait3A_73 = tpu.memref_slice %arg3[%dma_wait3A_71, %dma_wait3A_72] : memref<8193x1024xf32, #tpu.memory_space<hbm>> -> memref<32x1024xf32, #tpu.memory_space<hbm>>
      tpu.wait_dma2 semaphore(%arg11 : memref<!tpu.dma_semaphore, #tpu.memory_space<semaphore_mem>>) src(%dma_wait3A_73 : memref<32x1024xf32, #tpu.memory_space<hbm>>) dst(%arg9 : memref<32x1024xf32, #tpu.memory_space<vmem>>)
      %add3A_74 = arith.constant 0 : i32
      %add3A_75 = arith.addi %add3A_74, %mul3A_2 : i32
      %mul3A_76 = arith.constant 32 : i32
      %mul3A_77 = arith.muli %add3A_67, %mul3A_76 : i32
      %add3A_78 = arith.addi %add3A_75, %mul3A_77 : i32
      %dma_start3A_79 = arith.constant 0 : i32
      %dma_start3A_80 = tpu.memref_slice %arg5[%add3A_78, %dma_start3A_79] : memref<32768x1024xf32, #tpu.memory_space<hbm>> -> memref<32x1024xf32, #tpu.memory_space<hbm>>
      %dma_start3A_81 = arith.constant 0 : i32
      %dma_start3A_82 = tpu.memref_slice %arg5[%add3A_78, %dma_start3A_81] : memref<32768x1024xf32, #tpu.memory_space<hbm>> -> memref<32x1024xf32, #tpu.memory_space<hbm>>
      tpu.enqueue_dma source(%arg9 : memref<32x1024xf32, #tpu.memory_space<vmem>>) target(%dma_start3A_82 : memref<32x1024xf32, #tpu.memory_space<hbm>>) target_semaphore(%arg13 : memref<!tpu.dma_semaphore, #tpu.memory_space<semaphore_mem>>)
      %add3A_83 = arith.constant 8192 : i32
      %add3A_84 = arith.addi %add3A_83, %mul3A_2 : i32
      %mul3A_85 = arith.constant 32 : i32
      %mul3A_86 = arith.muli %add3A_67, %mul3A_85 : i32
      %add3A_87 = arith.addi %add3A_84, %mul3A_86 : i32
      %dma_start3A_88 = arith.constant 0 : i32
      %dma_start3A_89 = tpu.memref_slice %arg5[%add3A_87, %dma_start3A_88] : memref<32768x1024xf32, #tpu.memory_space<hbm>> -> memref<32x1024xf32, #tpu.memory_space<hbm>>
      %dma_start3A_90 = arith.constant 0 : i32
      %dma_start3A_91 = tpu.memref_slice %arg5[%add3A_87, %dma_start3A_90] : memref<32768x1024xf32, #tpu.memory_space<hbm>> -> memref<32x1024xf32, #tpu.memory_space<hbm>>
      tpu.enqueue_dma source(%arg9 : memref<32x1024xf32, #tpu.memory_space<vmem>>) target(%dma_start3A_91 : memref<32x1024xf32, #tpu.memory_space<hbm>>) target_semaphore(%arg13 : memref<!tpu.dma_semaphore, #tpu.memory_space<semaphore_mem>>)
      %add3A_92 = arith.constant 16384 : i32
      %add3A_93 = arith.addi %add3A_92, %mul3A_2 : i32
      %mul3A_94 = arith.constant 32 : i32
      %mul3A_95 = arith.muli %add3A_67, %mul3A_94 : i32
      %add3A_96 = arith.addi %add3A_93, %mul3A_95 : i32
      %dma_start3A_97 = arith.constant 0 : i32
      %dma_start3A_98 = tpu.memref_slice %arg5[%add3A_96, %dma_start3A_97] : memref<32768x1024xf32, #tpu.memory_space<hbm>> -> memref<32x1024xf32, #tpu.memory_space<hbm>>
      %dma_start3A_99 = arith.constant 0 : i32
      %dma_start3A_100 = tpu.memref_slice %arg5[%add3A_96, %dma_start3A_99] : memref<32768x1024xf32, #tpu.memory_space<hbm>> -> memref<32x1024xf32, #tpu.memory_space<hbm>>
      tpu.enqueue_dma source(%arg9 : memref<32x1024xf32, #tpu.memory_space<vmem>>) target(%dma_start3A_100 : memref<32x1024xf32, #tpu.memory_space<hbm>>) target_semaphore(%arg13 : memref<!tpu.dma_semaphore, #tpu.memory_space<semaphore_mem>>)
      %add3A_101 = arith.constant 24576 : i32
      %add3A_102 = arith.addi %add3A_101, %mul3A_2 : i32
      %mul3A_103 = arith.constant 32 : i32
      %mul3A_104 = arith.muli %add3A_67, %mul3A_103 : i32
      %add3A_105 = arith.addi %add3A_102, %mul3A_104 : i32
      %dma_start3A_106 = arith.constant 0 : i32
      %dma_start3A_107 = tpu.memref_slice %arg5[%add3A_105, %dma_start3A_106] : memref<32768x1024xf32, #tpu.memory_space<hbm>> -> memref<32x1024xf32, #tpu.memory_space<hbm>>
      %dma_start3A_108 = arith.constant 0 : i32
      %dma_start3A_109 = tpu.memref_slice %arg5[%add3A_105, %dma_start3A_108] : memref<32768x1024xf32, #tpu.memory_space<hbm>> -> memref<32x1024xf32, #tpu.memory_space<hbm>>
      tpu.enqueue_dma source(%arg9 : memref<32x1024xf32, #tpu.memory_space<vmem>>) target(%dma_start3A_109 : memref<32x1024xf32, #tpu.memory_space<hbm>>) target_semaphore(%arg13 : memref<!tpu.dma_semaphore, #tpu.memory_space<semaphore_mem>>)
      %mul3A_110 = arith.constant 2 : i32
      %mul3A_111 = arith.muli %mul3A_110, %scan3A_63 : i32
      %add3A_112 = arith.constant 1 : i32
      %add3A_113 = arith.addi %mul3A_111, %add3A_112 : i32
      %dma_wait3A_114 = arith.constant 0 : i32
      %dma_wait3A_115 = arith.constant 0 : i32
      %dma_wait3A_116 = tpu.memref_slice %arg3[%dma_wait3A_114, %dma_wait3A_115] : memref<8193x1024xf32, #tpu.memory_space<hbm>> -> memref<32x1024xf32, #tpu.memory_space<hbm>>
      %dma_wait3A_117 = arith.constant 0 : i32
      %dma_wait3A_118 = arith.constant 0 : i32
      %dma_wait3A_119 = tpu.memref_slice %arg3[%dma_wait3A_117, %dma_wait3A_118] : memref<8193x1024xf32, #tpu.memory_space<hbm>> -> memref<32x1024xf32, #tpu.memory_space<hbm>>
      tpu.wait_dma2 semaphore(%arg12 : memref<!tpu.dma_semaphore, #tpu.memory_space<semaphore_mem>>) src(%dma_wait3A_119 : memref<32x1024xf32, #tpu.memory_space<hbm>>) dst(%arg10 : memref<32x1024xf32, #tpu.memory_space<vmem>>)
      %add3A_120 = arith.constant 0 : i32
      %add3A_121 = arith.addi %add3A_120, %mul3A_2 : i32
      %mul3A_122 = arith.constant 32 : i32
      %mul3A_123 = arith.muli %add3A_113, %mul3A_122 : i32
      %add3A_124 = arith.addi %add3A_121, %mul3A_123 : i32
      %dma_start3A_125 = arith.constant 0 : i32
      %dma_start3A_126 = tpu.memref_slice %arg5[%add3A_124, %dma_start3A_125] : memref<32768x1024xf32, #tpu.memory_space<hbm>> -> memref<32x1024xf32, #tpu.memory_space<hbm>>
      %dma_start3A_127 = arith.constant 0 : i32
      %dma_start3A_128 = tpu.memref_slice %arg5[%add3A_124, %dma_start3A_127] : memref<32768x1024xf32, #tpu.memory_space<hbm>> -> memref<32x1024xf32, #tpu.memory_space<hbm>>
      tpu.enqueue_dma source(%arg10 : memref<32x1024xf32, #tpu.memory_space<vmem>>) target(%dma_start3A_128 : memref<32x1024xf32, #tpu.memory_space<hbm>>) target_semaphore(%arg14 : memref<!tpu.dma_semaphore, #tpu.memory_space<semaphore_mem>>)
      %add3A_129 = arith.constant 8192 : i32
      %add3A_130 = arith.addi %add3A_129, %mul3A_2 : i32
      %mul3A_131 = arith.constant 32 : i32
      %mul3A_132 = arith.muli %add3A_113, %mul3A_131 : i32
      %add3A_133 = arith.addi %add3A_130, %mul3A_132 : i32
      %dma_start3A_134 = arith.constant 0 : i32
      %dma_start3A_135 = tpu.memref_slice %arg5[%add3A_133, %dma_start3A_134] : memref<32768x1024xf32, #tpu.memory_space<hbm>> -> memref<32x1024xf32, #tpu.memory_space<hbm>>
      %dma_start3A_136 = arith.constant 0 : i32
      %dma_start3A_137 = tpu.memref_slice %arg5[%add3A_133, %dma_start3A_136] : memref<32768x1024xf32, #tpu.memory_space<hbm>> -> memref<32x1024xf32, #tpu.memory_space<hbm>>
      tpu.enqueue_dma source(%arg10 : memref<32x1024xf32, #tpu.memory_space<vmem>>) target(%dma_start3A_137 : memref<32x1024xf32, #tpu.memory_space<hbm>>) target_semaphore(%arg14 : memref<!tpu.dma_semaphore, #tpu.memory_space<semaphore_mem>>)
      %add3A_138 = arith.constant 16384 : i32
      %add3A_139 = arith.addi %add3A_138, %mul3A_2 : i32
      %mul3A_140 = arith.constant 32 : i32
      %mul3A_141 = arith.muli %add3A_113, %mul3A_140 : i32
      %add3A_142 = arith.addi %add3A_139, %mul3A_141 : i32
      %dma_start3A_143 = arith.constant 0 : i32
      %dma_start3A_144 = tpu.memref_slice %arg5[%add3A_142, %dma_start3A_143] : memref<32768x1024xf32, #tpu.memory_space<hbm>> -> memref<32x1024xf32, #tpu.memory_space<hbm>>
      %dma_start3A_145 = arith.constant 0 : i32
      %dma_start3A_146 = tpu.memref_slice %arg5[%add3A_142, %dma_start3A_145] : memref<32768x1024xf32, #tpu.memory_space<hbm>> -> memref<32x1024xf32, #tpu.memory_space<hbm>>
      tpu.enqueue_dma source(%arg10 : memref<32x1024xf32, #tpu.memory_space<vmem>>) target(%dma_start3A_146 : memref<32x1024xf32, #tpu.memory_space<hbm>>) target_semaphore(%arg14 : memref<!tpu.dma_semaphore, #tpu.memory_space<semaphore_mem>>)
      %add3A_147 = arith.constant 24576 : i32
      %add3A_148 = arith.addi %add3A_147, %mul3A_2 : i32
      %mul3A_149 = arith.constant 32 : i32
      %mul3A_150 = arith.muli %add3A_113, %mul3A_149 : i32
      %add3A_151 = arith.addi %add3A_148, %mul3A_150 : i32
      %dma_start3A_152 = arith.constant 0 : i32
      %dma_start3A_153 = tpu.memref_slice %arg5[%add3A_151, %dma_start3A_152] : memref<32768x1024xf32, #tpu.memory_space<hbm>> -> memref<32x1024xf32, #tpu.memory_space<hbm>>
      %dma_start3A_154 = arith.constant 0 : i32
      %dma_start3A_155 = tpu.memref_slice %arg5[%add3A_151, %dma_start3A_154] : memref<32768x1024xf32, #tpu.memory_space<hbm>> -> memref<32x1024xf32, #tpu.memory_space<hbm>>
      tpu.enqueue_dma source(%arg10 : memref<32x1024xf32, #tpu.memory_space<vmem>>) target(%dma_start3A_155 : memref<32x1024xf32, #tpu.memory_space<hbm>>) target_semaphore(%arg14 : memref<!tpu.dma_semaphore, #tpu.memory_space<semaphore_mem>>)
      %add3A_156 = arith.constant 1 : i32
      %add3A_157 = arith.addi %scan3A_63, %add3A_156 : i32
      %lt3A = arith.constant 4 : i32
      %lt3A_158 = arith.cmpi slt, %add3A_157, %lt3A : i32
      %convert_element_type3A = arith.extui %lt3A_158 : i1 to i32
      %cond3A = arith.constant 0 : i32
      %cond3A_159 = arith.cmpi ne, %convert_element_type3A, %cond3A : i32
      scf.if %cond3A_159 {
        %dma_wait3A_160 = arith.constant 0 : i32
        %dma_wait3A_161 = tpu.memref_slice %arg5[%mul3A_2, %dma_wait3A_160] : memref<32768x1024xf32, #tpu.memory_space<hbm>> -> memref<32x1024xf32, #tpu.memory_space<hbm>>
        %dma_wait3A_162 = arith.constant 0 : i32
        %dma_wait3A_163 = tpu.memref_slice %arg5[%mul3A_2, %dma_wait3A_162] : memref<32768x1024xf32, #tpu.memory_space<hbm>> -> memref<32x1024xf32, #tpu.memory_space<hbm>>
        tpu.wait_dma2 semaphore(%arg13 : memref<!tpu.dma_semaphore, #tpu.memory_space<semaphore_mem>>) src(%arg9 : memref<32x1024xf32, #tpu.memory_space<vmem>>) dst(%dma_wait3A_163 : memref<32x1024xf32, #tpu.memory_space<hbm>>)
        %dma_wait3A_164 = arith.constant 0 : i32
        %dma_wait3A_165 = tpu.memref_slice %arg5[%mul3A_2, %dma_wait3A_164] : memref<32768x1024xf32, #tpu.memory_space<hbm>> -> memref<32x1024xf32, #tpu.memory_space<hbm>>
        %dma_wait3A_166 = arith.constant 0 : i32
        %dma_wait3A_167 = tpu.memref_slice %arg5[%mul3A_2, %dma_wait3A_166] : memref<32768x1024xf32, #tpu.memory_space<hbm>> -> memref<32x1024xf32, #tpu.memory_space<hbm>>
        tpu.wait_dma2 semaphore(%arg13 : memref<!tpu.dma_semaphore, #tpu.memory_space<semaphore_mem>>) src(%arg9 : memref<32x1024xf32, #tpu.memory_space<vmem>>) dst(%dma_wait3A_167 : memref<32x1024xf32, #tpu.memory_space<hbm>>)
        %dma_wait3A_168 = arith.constant 0 : i32
        %dma_wait3A_169 = tpu.memref_slice %arg5[%mul3A_2, %dma_wait3A_168] : memref<32768x1024xf32, #tpu.memory_space<hbm>> -> memref<32x1024xf32, #tpu.memory_space<hbm>>
        %dma_wait3A_170 = arith.constant 0 : i32
        %dma_wait3A_171 = tpu.memref_slice %arg5[%mul3A_2, %dma_wait3A_170] : memref<32768x1024xf32, #tpu.memory_space<hbm>> -> memref<32x1024xf32, #tpu.memory_space<hbm>>
        tpu.wait_dma2 semaphore(%arg13 : memref<!tpu.dma_semaphore, #tpu.memory_space<semaphore_mem>>) src(%arg9 : memref<32x1024xf32, #tpu.memory_space<vmem>>) dst(%dma_wait3A_171 : memref<32x1024xf32, #tpu.memory_space<hbm>>)
        %dma_wait3A_172 = arith.constant 0 : i32
        %dma_wait3A_173 = tpu.memref_slice %arg5[%mul3A_2, %dma_wait3A_172] : memref<32768x1024xf32, #tpu.memory_space<hbm>> -> memref<32x1024xf32, #tpu.memory_space<hbm>>
        %dma_wait3A_174 = arith.constant 0 : i32
        %dma_wait3A_175 = tpu.memref_slice %arg5[%mul3A_2, %dma_wait3A_174] : memref<32768x1024xf32, #tpu.memory_space<hbm>> -> memref<32x1024xf32, #tpu.memory_space<hbm>>
        tpu.wait_dma2 semaphore(%arg13 : memref<!tpu.dma_semaphore, #tpu.memory_space<semaphore_mem>>) src(%arg9 : memref<32x1024xf32, #tpu.memory_space<vmem>>) dst(%dma_wait3A_175 : memref<32x1024xf32, #tpu.memory_space<hbm>>)
        %add3A_176 = arith.constant 1 : i32
        %add3A_177 = arith.addi %scan3A_63, %add3A_176 : i32
        %mul3A_178 = arith.constant 2 : i32
        %mul3A_179 = arith.muli %mul3A_178, %add3A_177 : i32
        %add3A_180 = arith.constant 0 : i32
        %add3A_181 = arith.addi %mul3A_179, %add3A_180 : i32
        %mul3A_182 = arith.constant 32 : i32
        %mul3A_183 = arith.muli %add3A_181, %mul3A_182 : i32
        %multiple_of3A_184 = tpu.assume_multiple %mul3A_183, 32 : i32
        %dma_start3A_185 = tpu.memref_slice %arg7[%multiple_of3A_184] : memref<256xi32, #tpu.memory_space<vmem>> -> memref<32xi32, #tpu.memory_space<vmem>>
        %dma_start3A_186 = arith.constant 0 : i32
        %dma_start3A_187 = arith.constant 0 : i32
        %dma_start3A_188 = tpu.memref_slice %arg3[%dma_start3A_186, %dma_start3A_187] : memref<8193x1024xf32, #tpu.memory_space<hbm>> -> memref<8193x1024xf32, #tpu.memory_space<hbm>>
        tpu.enqueue_indirect_dma source(%dma_start3A_188 : memref<8193x1024xf32, #tpu.memory_space<hbm>>) target(%arg9 : memref<32x1024xf32, #tpu.memory_space<vmem>>) offsets(%dma_start3A_185 : memref<32xi32, #tpu.memory_space<vmem>>) semaphore(%arg11 : memref<!tpu.dma_semaphore, #tpu.memory_space<semaphore_mem>>)
        %dma_wait3A_189 = arith.constant 0 : i32
        %dma_wait3A_190 = tpu.memref_slice %arg5[%mul3A_2, %dma_wait3A_189] : memref<32768x1024xf32, #tpu.memory_space<hbm>> -> memref<32x1024xf32, #tpu.memory_space<hbm>>
        %dma_wait3A_191 = arith.constant 0 : i32
        %dma_wait3A_192 = tpu.memref_slice %arg5[%mul3A_2, %dma_wait3A_191] : memref<32768x1024xf32, #tpu.memory_space<hbm>> -> memref<32x1024xf32, #tpu.memory_space<hbm>>
        tpu.wait_dma2 semaphore(%arg14 : memref<!tpu.dma_semaphore, #tpu.memory_space<semaphore_mem>>) src(%arg10 : memref<32x1024xf32, #tpu.memory_space<vmem>>) dst(%dma_wait3A_192 : memref<32x1024xf32, #tpu.memory_space<hbm>>)
        %dma_wait3A_193 = arith.constant 0 : i32
        %dma_wait3A_194 = tpu.memref_slice %arg5[%mul3A_2, %dma_wait3A_193] : memref<32768x1024xf32, #tpu.memory_space<hbm>> -> memref<32x1024xf32, #tpu.memory_space<hbm>>
        %dma_wait3A_195 = arith.constant 0 : i32
        %dma_wait3A_196 = tpu.memref_slice %arg5[%mul3A_2, %dma_wait3A_195] : memref<32768x1024xf32, #tpu.memory_space<hbm>> -> memref<32x1024xf32, #tpu.memory_space<hbm>>
        tpu.wait_dma2 semaphore(%arg14 : memref<!tpu.dma_semaphore, #tpu.memory_space<semaphore_mem>>) src(%arg10 : memref<32x1024xf32, #tpu.memory_space<vmem>>) dst(%dma_wait3A_196 : memref<32x1024xf32, #tpu.memory_space<hbm>>)
        %dma_wait3A_197 = arith.constant 0 : i32
        %dma_wait3A_198 = tpu.memref_slice %arg5[%mul3A_2, %dma_wait3A_197] : memref<32768x1024xf32, #tpu.memory_space<hbm>> -> memref<32x1024xf32, #tpu.memory_space<hbm>>
        %dma_wait3A_199 = arith.constant 0 : i32
        %dma_wait3A_200 = tpu.memref_slice %arg5[%mul3A_2, %dma_wait3A_199] : memref<32768x1024xf32, #tpu.memory_space<hbm>> -> memref<32x1024xf32, #tpu.memory_space<hbm>>
        tpu.wait_dma2 semaphore(%arg14 : memref<!tpu.dma_semaphore, #tpu.memory_space<semaphore_mem>>) src(%arg10 : memref<32x1024xf32, #tpu.memory_space<vmem>>) dst(%dma_wait3A_200 : memref<32x1024xf32, #tpu.memory_space<hbm>>)
        %dma_wait3A_201 = arith.constant 0 : i32
        %dma_wait3A_202 = tpu.memref_slice %arg5[%mul3A_2, %dma_wait3A_201] : memref<32768x1024xf32, #tpu.memory_space<hbm>> -> memref<32x1024xf32, #tpu.memory_space<hbm>>
        %dma_wait3A_203 = arith.constant 0 : i32
        %dma_wait3A_204 = tpu.memref_slice %arg5[%mul3A_2, %dma_wait3A_203] : memref<32768x1024xf32, #tpu.memory_space<hbm>> -> memref<32x1024xf32, #tpu.memory_space<hbm>>
        tpu.wait_dma2 semaphore(%arg14 : memref<!tpu.dma_semaphore, #tpu.memory_space<semaphore_mem>>) src(%arg10 : memref<32x1024xf32, #tpu.memory_space<vmem>>) dst(%dma_wait3A_204 : memref<32x1024xf32, #tpu.memory_space<hbm>>)
        %add3A_205 = arith.constant 1 : i32
        %add3A_206 = arith.addi %scan3A_63, %add3A_205 : i32
        %mul3A_207 = arith.constant 2 : i32
        %mul3A_208 = arith.muli %mul3A_207, %add3A_206 : i32
        %add3A_209 = arith.constant 1 : i32
        %add3A_210 = arith.addi %mul3A_208, %add3A_209 : i32
        %mul3A_211 = arith.constant 32 : i32
        %mul3A_212 = arith.muli %add3A_210, %mul3A_211 : i32
        %multiple_of3A_213 = tpu.assume_multiple %mul3A_212, 32 : i32
        %dma_start3A_214 = tpu.memref_slice %arg7[%multiple_of3A_213] : memref<256xi32, #tpu.memory_space<vmem>> -> memref<32xi32, #tpu.memory_space<vmem>>
        %dma_start3A_215 = arith.constant 0 : i32
        %dma_start3A_216 = arith.constant 0 : i32
        %dma_start3A_217 = tpu.memref_slice %arg3[%dma_start3A_215, %dma_start3A_216] : memref<8193x1024xf32, #tpu.memory_space<hbm>> -> memref<8193x1024xf32, #tpu.memory_space<hbm>>
        tpu.enqueue_indirect_dma source(%dma_start3A_217 : memref<8193x1024xf32, #tpu.memory_space<hbm>>) target(%arg10 : memref<32x1024xf32, #tpu.memory_space<vmem>>) offsets(%dma_start3A_214 : memref<32xi32, #tpu.memory_space<vmem>>) semaphore(%arg12 : memref<!tpu.dma_semaphore, #tpu.memory_space<semaphore_mem>>)
      } else {
      }
    }
    %scan3A_25 = arith.constant 4 : i32
    %dma_wait3A = arith.constant 0 : i32
    %dma_wait3A_26 = tpu.memref_slice %arg5[%mul3A_2, %dma_wait3A] : memref<32768x1024xf32, #tpu.memory_space<hbm>> -> memref<32x1024xf32, #tpu.memory_space<hbm>>
    %dma_wait3A_27 = arith.constant 0 : i32
    %dma_wait3A_28 = tpu.memref_slice %arg5[%mul3A_2, %dma_wait3A_27] : memref<32768x1024xf32, #tpu.memory_space<hbm>> -> memref<32x1024xf32, #tpu.memory_space<hbm>>
    tpu.wait_dma2 semaphore(%arg13 : memref<!tpu.dma_semaphore, #tpu.memory_space<semaphore_mem>>) src(%arg9 : memref<32x1024xf32, #tpu.memory_space<vmem>>) dst(%dma_wait3A_28 : memref<32x1024xf32, #tpu.memory_space<hbm>>)
    %dma_wait3A_29 = arith.constant 0 : i32
    %dma_wait3A_30 = tpu.memref_slice %arg5[%mul3A_2, %dma_wait3A_29] : memref<32768x1024xf32, #tpu.memory_space<hbm>> -> memref<32x1024xf32, #tpu.memory_space<hbm>>
    %dma_wait3A_31 = arith.constant 0 : i32
    %dma_wait3A_32 = tpu.memref_slice %arg5[%mul3A_2, %dma_wait3A_31] : memref<32768x1024xf32, #tpu.memory_space<hbm>> -> memref<32x1024xf32, #tpu.memory_space<hbm>>
    tpu.wait_dma2 semaphore(%arg13 : memref<!tpu.dma_semaphore, #tpu.memory_space<semaphore_mem>>) src(%arg9 : memref<32x1024xf32, #tpu.memory_space<vmem>>) dst(%dma_wait3A_32 : memref<32x1024xf32, #tpu.memory_space<hbm>>)
    %dma_wait3A_33 = arith.constant 0 : i32
    %dma_wait3A_34 = tpu.memref_slice %arg5[%mul3A_2, %dma_wait3A_33] : memref<32768x1024xf32, #tpu.memory_space<hbm>> -> memref<32x1024xf32, #tpu.memory_space<hbm>>
    %dma_wait3A_35 = arith.constant 0 : i32
    %dma_wait3A_36 = tpu.memref_slice %arg5[%mul3A_2, %dma_wait3A_35] : memref<32768x1024xf32, #tpu.memory_space<hbm>> -> memref<32x1024xf32, #tpu.memory_space<hbm>>
    tpu.wait_dma2 semaphore(%arg13 : memref<!tpu.dma_semaphore, #tpu.memory_space<semaphore_mem>>) src(%arg9 : memref<32x1024xf32, #tpu.memory_space<vmem>>) dst(%dma_wait3A_36 : memref<32x1024xf32, #tpu.memory_space<hbm>>)
    %dma_wait3A_37 = arith.constant 0 : i32
    %dma_wait3A_38 = tpu.memref_slice %arg5[%mul3A_2, %dma_wait3A_37] : memref<32768x1024xf32, #tpu.memory_space<hbm>> -> memref<32x1024xf32, #tpu.memory_space<hbm>>
    %dma_wait3A_39 = arith.constant 0 : i32
    %dma_wait3A_40 = tpu.memref_slice %arg5[%mul3A_2, %dma_wait3A_39] : memref<32768x1024xf32, #tpu.memory_space<hbm>> -> memref<32x1024xf32, #tpu.memory_space<hbm>>
    tpu.wait_dma2 semaphore(%arg13 : memref<!tpu.dma_semaphore, #tpu.memory_space<semaphore_mem>>) src(%arg9 : memref<32x1024xf32, #tpu.memory_space<vmem>>) dst(%dma_wait3A_40 : memref<32x1024xf32, #tpu.memory_space<hbm>>)
    %dma_wait3A_41 = arith.constant 0 : i32
    %dma_wait3A_42 = tpu.memref_slice %arg5[%mul3A_2, %dma_wait3A_41] : memref<32768x1024xf32, #tpu.memory_space<hbm>> -> memref<32x1024xf32, #tpu.memory_space<hbm>>
    %dma_wait3A_43 = arith.constant 0 : i32
    %dma_wait3A_44 = tpu.memref_slice %arg5[%mul3A_2, %dma_wait3A_43] : memref<32768x1024xf32, #tpu.memory_space<hbm>> -> memref<32x1024xf32, #tpu.memory_space<hbm>>
    tpu.wait_dma2 semaphore(%arg14 : memref<!tpu.dma_semaphore, #tpu.memory_space<semaphore_mem>>) src(%arg10 : memref<32x1024xf32, #tpu.memory_space<vmem>>) dst(%dma_wait3A_44 : memref<32x1024xf32, #tpu.memory_space<hbm>>)
    %dma_wait3A_45 = arith.constant 0 : i32
    %dma_wait3A_46 = tpu.memref_slice %arg5[%mul3A_2, %dma_wait3A_45] : memref<32768x1024xf32, #tpu.memory_space<hbm>> -> memref<32x1024xf32, #tpu.memory_space<hbm>>
    %dma_wait3A_47 = arith.constant 0 : i32
    %dma_wait3A_48 = tpu.memref_slice %arg5[%mul3A_2, %dma_wait3A_47] : memref<32768x1024xf32, #tpu.memory_space<hbm>> -> memref<32x1024xf32, #tpu.memory_space<hbm>>
    tpu.wait_dma2 semaphore(%arg14 : memref<!tpu.dma_semaphore, #tpu.memory_space<semaphore_mem>>) src(%arg10 : memref<32x1024xf32, #tpu.memory_space<vmem>>) dst(%dma_wait3A_48 : memref<32x1024xf32, #tpu.memory_space<hbm>>)
    %dma_wait3A_49 = arith.constant 0 : i32
    %dma_wait3A_50 = tpu.memref_slice %arg5[%mul3A_2, %dma_wait3A_49] : memref<32768x1024xf32, #tpu.memory_space<hbm>> -> memref<32x1024xf32, #tpu.memory_space<hbm>>
    %dma_wait3A_51 = arith.constant 0 : i32
    %dma_wait3A_52 = tpu.memref_slice %arg5[%mul3A_2, %dma_wait3A_51] : memref<32768x1024xf32, #tpu.memory_space<hbm>> -> memref<32x1024xf32, #tpu.memory_space<hbm>>
    tpu.wait_dma2 semaphore(%arg14 : memref<!tpu.dma_semaphore, #tpu.memory_space<semaphore_mem>>) src(%arg10 : memref<32x1024xf32, #tpu.memory_space<vmem>>) dst(%dma_wait3A_52 : memref<32x1024xf32, #tpu.memory_space<hbm>>)
    %dma_wait3A_53 = arith.constant 0 : i32
    %dma_wait3A_54 = tpu.memref_slice %arg5[%mul3A_2, %dma_wait3A_53] : memref<32768x1024xf32, #tpu.memory_space<hbm>> -> memref<32x1024xf32, #tpu.memory_space<hbm>>
    %dma_wait3A_55 = arith.constant 0 : i32
    %dma_wait3A_56 = tpu.memref_slice %arg5[%mul3A_2, %dma_wait3A_55] : memref<32768x1024xf32, #tpu.memory_space<hbm>> -> memref<32x1024xf32, #tpu.memory_space<hbm>>
    tpu.wait_dma2 semaphore(%arg14 : memref<!tpu.dma_semaphore, #tpu.memory_space<semaphore_mem>>) src(%arg10 : memref<32x1024xf32, #tpu.memory_space<vmem>>) dst(%dma_wait3A_56 : memref<32x1024xf32, #tpu.memory_space<hbm>>)
    %scan3A_57 = arith.constant 0 : i32
    %scan3A_58 = arith.constant 0 : i32
    %scan3A_59 = arith.constant 16 : i32
    %scan3A_60 = arith.addi %scan3A_58, %scan3A_59 : i32
    %scan3A_61 = arith.constant 1 : i32
    scf.for %scan3A_63 = %scan3A_58 to %scan3A_60 step %scan3A_61  : i32 {
      %mul3A_64 = arith.constant 16 : i32
      %mul3A_65 = arith.muli %scan3A_63, %mul3A_64 : i32
      %add3A_66 = arith.constant 0 : i32
      %add3A_67 = arith.addi %add3A_66, %mul3A_65 : i32
      %get3A = arith.index_cast %add3A_67 : i32 to index
      %get3A_68 = tpu.vector_load %arg6[%get3A] {strides = array<i32>} : memref<1024xi32, #tpu.memory_space<vmem>>, vector<16xi32>,
      %get3A_69 = vector.shape_cast %get3A_68 : vector<16xi32> to vector<16xi32>
      %mul3A_70 = arith.constant 16 : i32
      %mul3A_71 = arith.muli %scan3A_63, %mul3A_70 : i32
      %add3A_72 = arith.constant 256 : i32
      %add3A_73 = arith.addi %add3A_72, %mul3A_71 : i32
      %get3A_74 = arith.index_cast %add3A_73 : i32 to index
      %get3A_75 = tpu.vector_load %arg6[%get3A_74] {strides = array<i32>} : memref<1024xi32, #tpu.memory_space<vmem>>, vector<16xi32>,
      %get3A_76 = vector.shape_cast %get3A_75 : vector<16xi32> to vector<16xi32>
      %mul3A_77 = arith.constant 16 : i32
      %mul3A_78 = arith.muli %scan3A_63, %mul3A_77 : i32
      %add3A_79 = arith.constant 512 : i32
      %add3A_80 = arith.addi %add3A_79, %mul3A_78 : i32
      %get3A_81 = arith.index_cast %add3A_80 : i32 to index
      %get3A_82 = tpu.vector_load %arg6[%get3A_81] {strides = array<i32>} : memref<1024xi32, #tpu.memory_space<vmem>>, vector<16xi32>,
      %get3A_83 = vector.shape_cast %get3A_82 : vector<16xi32> to vector<16xi32>
      %mul3A_84 = arith.constant 16 : i32
      %mul3A_85 = arith.muli %scan3A_63, %mul3A_84 : i32
      %add3A_86 = arith.constant 768 : i32
      %add3A_87 = arith.addi %add3A_86, %mul3A_85 : i32
      %get3A_88 = arith.index_cast %add3A_87 : i32 to index
      %get3A_89 = tpu.vector_load %arg6[%get3A_88] {strides = array<i32>} : memref<1024xi32, #tpu.memory_space<vmem>>, vector<16xi32>,
      %get3A_90 = vector.shape_cast %get3A_89 : vector<16xi32> to vector<16xi32>
      %min3A = arith.minsi %get3A_69, %get3A_76 : vector<16xi32>
      %min3A_91 = arith.minsi %min3A, %get3A_83 : vector<16xi32>
      %min3A_92 = arith.minsi %min3A_91, %get3A_90 : vector<16xi32>
      %mul3A_93 = arith.constant 16 : i32
      %mul3A_94 = arith.muli %scan3A_63, %mul3A_93 : i32
      %add3A_95 = arith.addi %mul3A_2, %mul3A_94 : i32
      %add3A_96 = arith.constant 1 : i32
      %add3A_97 = arith.addi %add3A_95, %add3A_96 : i32
      %add3A_98 = vector.broadcast %add3A_97 : i32 to vector<16xi32>
      %add3A_99 = arith.addi %iota3A, %add3A_98 : vector<16xi32>
      %xor3A = arith.constant 1 : i32
      %xor3A_100 = vector.broadcast %xor3A : i32 to vector<16xi32>
      %xor3A_101 = arith.xori %iota3A, %xor3A_100 : vector<16xi32>
      %broadcast_in_dim3A = vector.shape_cast %xor3A_101 : vector<16xi32> to vector<16x1xi32>
      %gather3A = vector.shape_cast %broadcast_in_dim3A : vector<16x1xi32> to vector<16xi32>
      %gather3A_102 = tpu.dynamic_gather %min3A_92[%gather3A] in [0] : vector<16xi32>, vector<16xi32> -> vector<16xi32>
      %min3A_103 = arith.minsi %min3A_92, %gather3A_102 : vector<16xi32>
      %xor3A_104 = arith.constant 2 : i32
      %xor3A_105 = vector.broadcast %xor3A_104 : i32 to vector<16xi32>
      %xor3A_106 = arith.xori %iota3A, %xor3A_105 : vector<16xi32>
      %broadcast_in_dim3A_107 = vector.shape_cast %xor3A_106 : vector<16xi32> to vector<16x1xi32>
      %gather3A_108 = vector.shape_cast %broadcast_in_dim3A_107 : vector<16x1xi32> to vector<16xi32>
      %gather3A_109 = tpu.dynamic_gather %min3A_103[%gather3A_108] in [0] : vector<16xi32>, vector<16xi32> -> vector<16xi32>
      %min3A_110 = arith.minsi %min3A_103, %gather3A_109 : vector<16xi32>
      %xor3A_111 = arith.constant 4 : i32
      %xor3A_112 = vector.broadcast %xor3A_111 : i32 to vector<16xi32>
      %xor3A_113 = arith.xori %iota3A, %xor3A_112 : vector<16xi32>
      %broadcast_in_dim3A_114 = vector.shape_cast %xor3A_113 : vector<16xi32> to vector<16x1xi32>
      %gather3A_115 = vector.shape_cast %broadcast_in_dim3A_114 : vector<16x1xi32> to vector<16xi32>
      %gather3A_116 = tpu.dynamic_gather %min3A_110[%gather3A_115] in [0] : vector<16xi32>, vector<16xi32> -> vector<16xi32>
      %min3A_117 = arith.minsi %min3A_110, %gather3A_116 : vector<16xi32>
      %xor3A_118 = arith.constant 8 : i32
      %xor3A_119 = vector.broadcast %xor3A_118 : i32 to vector<16xi32>
      %xor3A_120 = arith.xori %iota3A, %xor3A_119 : vector<16xi32>
      %broadcast_in_dim3A_121 = vector.shape_cast %xor3A_120 : vector<16xi32> to vector<16x1xi32>
      %gather3A_122 = vector.shape_cast %broadcast_in_dim3A_121 : vector<16x1xi32> to vector<16xi32>
      %gather3A_123 = tpu.dynamic_gather %min3A_117[%gather3A_122] in [0] : vector<16xi32>, vector<16xi32> -> vector<16xi32>
      %min3A_124 = arith.minsi %min3A_117, %gather3A_123 : vector<16xi32>
      %slice3A = vector.extract_strided_slice %min3A_124 {offsets = [0], sizes = [1], strides = [1]} : vector<16xi32> to vector<1xi32>
      %squeeze3A = vector.extract %slice3A[0] : i32 from vector<1xi32>
      %eq3A = arith.constant 0 : i32
      %eq3A_125 = arith.cmpi eq, %squeeze3A, %eq3A : i32
      %convert_element_type3A = arith.extui %eq3A_125 : i1 to i32
      %cond3A = arith.constant 0 : i32
      %cond3A_126 = arith.cmpi ne, %convert_element_type3A, %cond3A : i32
      scf.if %cond3A_126 {
        %eq3A_127 = arith.constant 0 : i32
        %eq3A_128 = vector.broadcast %eq3A_127 : i32 to vector<16xi32>
        %eq3A_129 = arith.cmpi eq, %get3A_69, %eq3A_128 : vector<16xi32>
        %xor3A_130 = arith.constant 1 : i32
        %xor3A_131 = vector.broadcast %xor3A_130 : i32 to vector<16xi32>
        %xor3A_132 = arith.xori %iota3A, %xor3A_131 : vector<16xi32>
        %broadcast_in_dim3A_133 = vector.shape_cast %xor3A_132 : vector<16xi32> to vector<16x1xi32>
        %gather3A_134 = vector.shape_cast %broadcast_in_dim3A_133 : vector<16x1xi32> to vector<16xi32>
        %gather3A_135 = tpu.dynamic_gather %get3A_69[%gather3A_134] in [0] : vector<16xi32>, vector<16xi32> -> vector<16xi32>
        %min3A_136 = arith.minsi %get3A_69, %gather3A_135 : vector<16xi32>
        %xor3A_137 = arith.constant 2 : i32
        %xor3A_138 = vector.broadcast %xor3A_137 : i32 to vector<16xi32>
        %xor3A_139 = arith.xori %iota3A, %xor3A_138 : vector<16xi32>
        %broadcast_in_dim3A_140 = vector.shape_cast %xor3A_139 : vector<16xi32> to vector<16x1xi32>
        %gather3A_141 = vector.shape_cast %broadcast_in_dim3A_140 : vector<16x1xi32> to vector<16xi32>
        %gather3A_142 = tpu.dynamic_gather %min3A_136[%gather3A_141] in [0] : vector<16xi32>, vector<16xi32> -> vector<16xi32>
        %min3A_143 = arith.minsi %min3A_136, %gather3A_142 : vector<16xi32>
        %xor3A_144 = arith.constant 4 : i32
        %xor3A_145 = vector.broadcast %xor3A_144 : i32 to vector<16xi32>
        %xor3A_146 = arith.xori %iota3A, %xor3A_145 : vector<16xi32>
        %broadcast_in_dim3A_147 = vector.shape_cast %xor3A_146 : vector<16xi32> to vector<16x1xi32>
        %gather3A_148 = vector.shape_cast %broadcast_in_dim3A_147 : vector<16x1xi32> to vector<16xi32>
        %gather3A_149 = tpu.dynamic_gather %min3A_143[%gather3A_148] in [0] : vector<16xi32>, vector<16xi32> -> vector<16xi32>
        %min3A_150 = arith.minsi %min3A_143, %gather3A_149 : vector<16xi32>
        %xor3A_151 = arith.constant 8 : i32
        %xor3A_152 = vector.broadcast %xor3A_151 : i32 to vector<16xi32>
        %xor3A_153 = arith.xori %iota3A, %xor3A_152 : vector<16xi32>
        %broadcast_in_dim3A_154 = vector.shape_cast %xor3A_153 : vector<16xi32> to vector<16x1xi32>
        %gather3A_155 = vector.shape_cast %broadcast_in_dim3A_154 : vector<16x1xi32> to vector<16xi32>
        %gather3A_156 = tpu.dynamic_gather %min3A_150[%gather3A_155] in [0] : vector<16xi32>, vector<16xi32> -> vector<16xi32>
        %min3A_157 = arith.minsi %min3A_150, %gather3A_156 : vector<16xi32>
        %slice3A_158 = vector.extract_strided_slice %min3A_157 {offsets = [0], sizes = [1], strides = [1]} : vector<16xi32> to vector<1xi32>
        %squeeze3A_159 = vector.extract %slice3A_158[0] : i32 from vector<1xi32>
        %eq3A_160 = arith.constant 0 : i32
        %eq3A_161 = arith.cmpi eq, %squeeze3A_159, %eq3A_160 : i32
        %convert_element_type3A_162 = arith.extui %eq3A_161 : i1 to i32
        %cond3A_163 = arith.constant 0 : i32
        %cond3A_164 = arith.cmpi ne, %convert_element_type3A_162, %cond3A_163 : i32
        scf.if %cond3A_164 {
          %jit3A = arith.constant 0 : i32
          %broadcast_in_dim3A_279 = vector.broadcast %jit3A : i32 to vector<16xi32>
          %select_n3A = arith.select %eq3A_129, %broadcast_in_dim3A_279, %add3A_99 : vector<16xi1>, vector<16xi32>
          %dma_start3A_280 = arith.constant 0 : i32
          %dma_start3A_281 = arith.constant 0 : i32
          %dma_start3A_282 = tpu.memref_slice %arg3[%dma_start3A_280, %dma_start3A_281] : memref<8193x1024xf32, #tpu.memory_space<hbm>> -> memref<8193x1024xf32, #tpu.memory_space<hbm>>
          tpu.enqueue_indirect_dma source(%dma_start3A_282 : memref<8193x1024xf32, #tpu.memory_space<hbm>>) target(%arg8 : memref<16x1024xf32, #tpu.memory_space<vmem>>) offsets(%select_n3A : vector<16xi32>) semaphore(%arg15 : memref<!tpu.dma_semaphore, #tpu.memory_space<semaphore_mem>>)
          %dma_wait3A_283 = arith.constant 0 : i32
          %dma_wait3A_284 = arith.constant 0 : i32
          %dma_wait3A_285 = tpu.memref_slice %arg3[%dma_wait3A_283, %dma_wait3A_284] : memref<8193x1024xf32, #tpu.memory_space<hbm>> -> memref<8193x1024xf32, #tpu.memory_space<hbm>>
          tpu.wait_indirect_dma semaphore(%arg15 : memref<!tpu.dma_semaphore, #tpu.memory_space<semaphore_mem>>) src(%dma_wait3A_285 : memref<8193x1024xf32, #tpu.memory_space<hbm>>) dst(%arg8 : memref<16x1024xf32, #tpu.memory_space<vmem>>)
          %add3A_286 = arith.constant 0 : i32
          %add3A_287 = arith.addi %add3A_286, %mul3A_2 : i32
          %mul3A_288 = arith.constant 16 : i32
          %mul3A_289 = arith.muli %scan3A_63, %mul3A_288 : i32
          %add3A_290 = arith.addi %add3A_287, %mul3A_289 : i32
          %dma_start3A_291 = arith.constant 0 : i32
          %dma_start3A_292 = tpu.memref_slice %arg5[%add3A_290, %dma_start3A_291] : memref<32768x1024xf32, #tpu.memory_space<hbm>> -> memref<16x1024xf32, #tpu.memory_space<hbm>>
          %dma_start3A_293 = arith.constant 0 : i32
          %dma_start3A_294 = tpu.memref_slice %arg5[%add3A_290, %dma_start3A_293] : memref<32768x1024xf32, #tpu.memory_space<hbm>> -> memref<16x1024xf32, #tpu.memory_space<hbm>>
          tpu.enqueue_dma source(%arg8 : memref<16x1024xf32, #tpu.memory_space<vmem>>) target(%dma_start3A_294 : memref<16x1024xf32, #tpu.memory_space<hbm>>) target_semaphore(%arg15 : memref<!tpu.dma_semaphore, #tpu.memory_space<semaphore_mem>>)
          %dma_wait3A_295 = arith.constant 0 : i32
          %dma_wait3A_296 = tpu.memref_slice %arg5[%add3A_290, %dma_wait3A_295] : memref<32768x1024xf32, #tpu.memory_space<hbm>> -> memref<16x1024xf32, #tpu.memory_space<hbm>>
          %dma_wait3A_297 = arith.constant 0 : i32
          %dma_wait3A_298 = tpu.memref_slice %arg5[%add3A_290, %dma_wait3A_297] : memref<32768x1024xf32, #tpu.memory_space<hbm>> -> memref<16x1024xf32, #tpu.memory_space<hbm>>
          tpu.wait_dma2 semaphore(%arg15 : memref<!tpu.dma_semaphore, #tpu.memory_space<semaphore_mem>>) src(%arg8 : memref<16x1024xf32, #tpu.memory_space<vmem>>) dst(%dma_wait3A_298 : memref<16x1024xf32, #tpu.memory_space<hbm>>)
        } else {
        }
        %eq3A_165 = arith.constant 0 : i32
        %eq3A_166 = vector.broadcast %eq3A_165 : i32 to vector<16xi32>
        %eq3A_167 = arith.cmpi eq, %get3A_76, %eq3A_166 : vector<16xi32>
        %xor3A_168 = arith.constant 1 : i32
        %xor3A_169 = vector.broadcast %xor3A_168 : i32 to vector<16xi32>
        %xor3A_170 = arith.xori %iota3A, %xor3A_169 : vector<16xi32>
        %broadcast_in_dim3A_171 = vector.shape_cast %xor3A_170 : vector<16xi32> to vector<16x1xi32>
        %gather3A_172 = vector.shape_cast %broadcast_in_dim3A_171 : vector<16x1xi32> to vector<16xi32>
        %gather3A_173 = tpu.dynamic_gather %get3A_76[%gather3A_172] in [0] : vector<16xi32>, vector<16xi32> -> vector<16xi32>
        %min3A_174 = arith.minsi %get3A_76, %gather3A_173 : vector<16xi32>
        %xor3A_175 = arith.constant 2 : i32
        %xor3A_176 = vector.broadcast %xor3A_175 : i32 to vector<16xi32>
        %xor3A_177 = arith.xori %iota3A, %xor3A_176 : vector<16xi32>
        %broadcast_in_dim3A_178 = vector.shape_cast %xor3A_177 : vector<16xi32> to vector<16x1xi32>
        %gather3A_179 = vector.shape_cast %broadcast_in_dim3A_178 : vector<16x1xi32> to vector<16xi32>
        %gather3A_180 = tpu.dynamic_gather %min3A_174[%gather3A_179] in [0] : vector<16xi32>, vector<16xi32> -> vector<16xi32>
        %min3A_181 = arith.minsi %min3A_174, %gather3A_180 : vector<16xi32>
        %xor3A_182 = arith.constant 4 : i32
        %xor3A_183 = vector.broadcast %xor3A_182 : i32 to vector<16xi32>
        %xor3A_184 = arith.xori %iota3A, %xor3A_183 : vector<16xi32>
        %broadcast_in_dim3A_185 = vector.shape_cast %xor3A_184 : vector<16xi32> to vector<16x1xi32>
        %gather3A_186 = vector.shape_cast %broadcast_in_dim3A_185 : vector<16x1xi32> to vector<16xi32>
        %gather3A_187 = tpu.dynamic_gather %min3A_181[%gather3A_186] in [0] : vector<16xi32>, vector<16xi32> -> vector<16xi32>
        %min3A_188 = arith.minsi %min3A_181, %gather3A_187 : vector<16xi32>
        %xor3A_189 = arith.constant 8 : i32
        %xor3A_190 = vector.broadcast %xor3A_189 : i32 to vector<16xi32>
        %xor3A_191 = arith.xori %iota3A, %xor3A_190 : vector<16xi32>
        %broadcast_in_dim3A_192 = vector.shape_cast %xor3A_191 : vector<16xi32> to vector<16x1xi32>
        %gather3A_193 = vector.shape_cast %broadcast_in_dim3A_192 : vector<16x1xi32> to vector<16xi32>
        %gather3A_194 = tpu.dynamic_gather %min3A_188[%gather3A_193] in [0] : vector<16xi32>, vector<16xi32> -> vector<16xi32>
        %min3A_195 = arith.minsi %min3A_188, %gather3A_194 : vector<16xi32>
        %slice3A_196 = vector.extract_strided_slice %min3A_195 {offsets = [0], sizes = [1], strides = [1]} : vector<16xi32> to vector<1xi32>
        %squeeze3A_197 = vector.extract %slice3A_196[0] : i32 from vector<1xi32>
        %eq3A_198 = arith.constant 0 : i32
        %eq3A_199 = arith.cmpi eq, %squeeze3A_197, %eq3A_198 : i32
        %convert_element_type3A_200 = arith.extui %eq3A_199 : i1 to i32
        %cond3A_201 = arith.constant 0 : i32
        %cond3A_202 = arith.cmpi ne, %convert_element_type3A_200, %cond3A_201 : i32
        scf.if %cond3A_202 {
          %jit3A = arith.constant 0 : i32
          %broadcast_in_dim3A_279 = vector.broadcast %jit3A : i32 to vector<16xi32>
          %select_n3A = arith.select %eq3A_167, %broadcast_in_dim3A_279, %add3A_99 : vector<16xi1>, vector<16xi32>
          %dma_start3A_280 = arith.constant 0 : i32
          %dma_start3A_281 = arith.constant 0 : i32
          %dma_start3A_282 = tpu.memref_slice %arg3[%dma_start3A_280, %dma_start3A_281] : memref<8193x1024xf32, #tpu.memory_space<hbm>> -> memref<8193x1024xf32, #tpu.memory_space<hbm>>
          tpu.enqueue_indirect_dma source(%dma_start3A_282 : memref<8193x1024xf32, #tpu.memory_space<hbm>>) target(%arg8 : memref<16x1024xf32, #tpu.memory_space<vmem>>) offsets(%select_n3A : vector<16xi32>) semaphore(%arg15 : memref<!tpu.dma_semaphore, #tpu.memory_space<semaphore_mem>>)
          %dma_wait3A_283 = arith.constant 0 : i32
          %dma_wait3A_284 = arith.constant 0 : i32
          %dma_wait3A_285 = tpu.memref_slice %arg3[%dma_wait3A_283, %dma_wait3A_284] : memref<8193x1024xf32, #tpu.memory_space<hbm>> -> memref<8193x1024xf32, #tpu.memory_space<hbm>>
          tpu.wait_indirect_dma semaphore(%arg15 : memref<!tpu.dma_semaphore, #tpu.memory_space<semaphore_mem>>) src(%dma_wait3A_285 : memref<8193x1024xf32, #tpu.memory_space<hbm>>) dst(%arg8 : memref<16x1024xf32, #tpu.memory_space<vmem>>)
          %add3A_286 = arith.constant 8192 : i32
          %add3A_287 = arith.addi %add3A_286, %mul3A_2 : i32
          %mul3A_288 = arith.constant 16 : i32
          %mul3A_289 = arith.muli %scan3A_63, %mul3A_288 : i32
          %add3A_290 = arith.addi %add3A_287, %mul3A_289 : i32
          %dma_start3A_291 = arith.constant 0 : i32
          %dma_start3A_292 = tpu.memref_slice %arg5[%add3A_290, %dma_start3A_291] : memref<32768x1024xf32, #tpu.memory_space<hbm>> -> memref<16x1024xf32, #tpu.memory_space<hbm>>
          %dma_start3A_293 = arith.constant 0 : i32
          %dma_start3A_294 = tpu.memref_slice %arg5[%add3A_290, %dma_start3A_293] : memref<32768x1024xf32, #tpu.memory_space<hbm>> -> memref<16x1024xf32, #tpu.memory_space<hbm>>
          tpu.enqueue_dma source(%arg8 : memref<16x1024xf32, #tpu.memory_space<vmem>>) target(%dma_start3A_294 : memref<16x1024xf32, #tpu.memory_space<hbm>>) target_semaphore(%arg15 : memref<!tpu.dma_semaphore, #tpu.memory_space<semaphore_mem>>)
          %dma_wait3A_295 = arith.constant 0 : i32
          %dma_wait3A_296 = tpu.memref_slice %arg5[%add3A_290, %dma_wait3A_295] : memref<32768x1024xf32, #tpu.memory_space<hbm>> -> memref<16x1024xf32, #tpu.memory_space<hbm>>
          %dma_wait3A_297 = arith.constant 0 : i32
          %dma_wait3A_298 = tpu.memref_slice %arg5[%add3A_290, %dma_wait3A_297] : memref<32768x1024xf32, #tpu.memory_space<hbm>> -> memref<16x1024xf32, #tpu.memory_space<hbm>>
          tpu.wait_dma2 semaphore(%arg15 : memref<!tpu.dma_semaphore, #tpu.memory_space<semaphore_mem>>) src(%arg8 : memref<16x1024xf32, #tpu.memory_space<vmem>>) dst(%dma_wait3A_298 : memref<16x1024xf32, #tpu.memory_space<hbm>>)
        } else {
        }
        %eq3A_203 = arith.constant 0 : i32
        %eq3A_204 = vector.broadcast %eq3A_203 : i32 to vector<16xi32>
        %eq3A_205 = arith.cmpi eq, %get3A_83, %eq3A_204 : vector<16xi32>
        %xor3A_206 = arith.constant 1 : i32
        %xor3A_207 = vector.broadcast %xor3A_206 : i32 to vector<16xi32>
        %xor3A_208 = arith.xori %iota3A, %xor3A_207 : vector<16xi32>
        %broadcast_in_dim3A_209 = vector.shape_cast %xor3A_208 : vector<16xi32> to vector<16x1xi32>
        %gather3A_210 = vector.shape_cast %broadcast_in_dim3A_209 : vector<16x1xi32> to vector<16xi32>
        %gather3A_211 = tpu.dynamic_gather %get3A_83[%gather3A_210] in [0] : vector<16xi32>, vector<16xi32> -> vector<16xi32>
        %min3A_212 = arith.minsi %get3A_83, %gather3A_211 : vector<16xi32>
        %xor3A_213 = arith.constant 2 : i32
        %xor3A_214 = vector.broadcast %xor3A_213 : i32 to vector<16xi32>
        %xor3A_215 = arith.xori %iota3A, %xor3A_214 : vector<16xi32>
        %broadcast_in_dim3A_216 = vector.shape_cast %xor3A_215 : vector<16xi32> to vector<16x1xi32>
        %gather3A_217 = vector.shape_cast %broadcast_in_dim3A_216 : vector<16x1xi32> to vector<16xi32>
        %gather3A_218 = tpu.dynamic_gather %min3A_212[%gather3A_217] in [0] : vector<16xi32>, vector<16xi32> -> vector<16xi32>
        %min3A_219 = arith.minsi %min3A_212, %gather3A_218 : vector<16xi32>
        %xor3A_220 = arith.constant 4 : i32
        %xor3A_221 = vector.broadcast %xor3A_220 : i32 to vector<16xi32>
        %xor3A_222 = arith.xori %iota3A, %xor3A_221 : vector<16xi32>
        %broadcast_in_dim3A_223 = vector.shape_cast %xor3A_222 : vector<16xi32> to vector<16x1xi32>
        %gather3A_224 = vector.shape_cast %broadcast_in_dim3A_223 : vector<16x1xi32> to vector<16xi32>
        %gather3A_225 = tpu.dynamic_gather %min3A_219[%gather3A_224] in [0] : vector<16xi32>, vector<16xi32> -> vector<16xi32>
        %min3A_226 = arith.minsi %min3A_219, %gather3A_225 : vector<16xi32>
        %xor3A_227 = arith.constant 8 : i32
        %xor3A_228 = vector.broadcast %xor3A_227 : i32 to vector<16xi32>
        %xor3A_229 = arith.xori %iota3A, %xor3A_228 : vector<16xi32>
        %broadcast_in_dim3A_230 = vector.shape_cast %xor3A_229 : vector<16xi32> to vector<16x1xi32>
        %gather3A_231 = vector.shape_cast %broadcast_in_dim3A_230 : vector<16x1xi32> to vector<16xi32>
        %gather3A_232 = tpu.dynamic_gather %min3A_226[%gather3A_231] in [0] : vector<16xi32>, vector<16xi32> -> vector<16xi32>
        %min3A_233 = arith.minsi %min3A_226, %gather3A_232 : vector<16xi32>
        %slice3A_234 = vector.extract_strided_slice %min3A_233 {offsets = [0], sizes = [1], strides = [1]} : vector<16xi32> to vector<1xi32>
        %squeeze3A_235 = vector.extract %slice3A_234[0] : i32 from vector<1xi32>
        %eq3A_236 = arith.constant 0 : i32
        %eq3A_237 = arith.cmpi eq, %squeeze3A_235, %eq3A_236 : i32
        %convert_element_type3A_238 = arith.extui %eq3A_237 : i1 to i32
        %cond3A_239 = arith.constant 0 : i32
        %cond3A_240 = arith.cmpi ne, %convert_element_type3A_238, %cond3A_239 : i32
        scf.if %cond3A_240 {
          %jit3A = arith.constant 0 : i32
          %broadcast_in_dim3A_279 = vector.broadcast %jit3A : i32 to vector<16xi32>
          %select_n3A = arith.select %eq3A_205, %broadcast_in_dim3A_279, %add3A_99 : vector<16xi1>, vector<16xi32>
          %dma_start3A_280 = arith.constant 0 : i32
          %dma_start3A_281 = arith.constant 0 : i32
          %dma_start3A_282 = tpu.memref_slice %arg3[%dma_start3A_280, %dma_start3A_281] : memref<8193x1024xf32, #tpu.memory_space<hbm>> -> memref<8193x1024xf32, #tpu.memory_space<hbm>>
          tpu.enqueue_indirect_dma source(%dma_start3A_282 : memref<8193x1024xf32, #tpu.memory_space<hbm>>) target(%arg8 : memref<16x1024xf32, #tpu.memory_space<vmem>>) offsets(%select_n3A : vector<16xi32>) semaphore(%arg15 : memref<!tpu.dma_semaphore, #tpu.memory_space<semaphore_mem>>)
          %dma_wait3A_283 = arith.constant 0 : i32
          %dma_wait3A_284 = arith.constant 0 : i32
          %dma_wait3A_285 = tpu.memref_slice %arg3[%dma_wait3A_283, %dma_wait3A_284] : memref<8193x1024xf32, #tpu.memory_space<hbm>> -> memref<8193x1024xf32, #tpu.memory_space<hbm>>
          tpu.wait_indirect_dma semaphore(%arg15 : memref<!tpu.dma_semaphore, #tpu.memory_space<semaphore_mem>>) src(%dma_wait3A_285 : memref<8193x1024xf32, #tpu.memory_space<hbm>>) dst(%arg8 : memref<16x1024xf32, #tpu.memory_space<vmem>>)
          %add3A_286 = arith.constant 16384 : i32
          %add3A_287 = arith.addi %add3A_286, %mul3A_2 : i32
          %mul3A_288 = arith.constant 16 : i32
          %mul3A_289 = arith.muli %scan3A_63, %mul3A_288 : i32
          %add3A_290 = arith.addi %add3A_287, %mul3A_289 : i32
          %dma_start3A_291 = arith.constant 0 : i32
          %dma_start3A_292 = tpu.memref_slice %arg5[%add3A_290, %dma_start3A_291] : memref<32768x1024xf32, #tpu.memory_space<hbm>> -> memref<16x1024xf32, #tpu.memory_space<hbm>>
          %dma_start3A_293 = arith.constant 0 : i32
          %dma_start3A_294 = tpu.memref_slice %arg5[%add3A_290, %dma_start3A_293] : memref<32768x1024xf32, #tpu.memory_space<hbm>> -> memref<16x1024xf32, #tpu.memory_space<hbm>>
          tpu.enqueue_dma source(%arg8 : memref<16x1024xf32, #tpu.memory_space<vmem>>) target(%dma_start3A_294 : memref<16x1024xf32, #tpu.memory_space<hbm>>) target_semaphore(%arg15 : memref<!tpu.dma_semaphore, #tpu.memory_space<semaphore_mem>>)
          %dma_wait3A_295 = arith.constant 0 : i32
          %dma_wait3A_296 = tpu.memref_slice %arg5[%add3A_290, %dma_wait3A_295] : memref<32768x1024xf32, #tpu.memory_space<hbm>> -> memref<16x1024xf32, #tpu.memory_space<hbm>>
          %dma_wait3A_297 = arith.constant 0 : i32
          %dma_wait3A_298 = tpu.memref_slice %arg5[%add3A_290, %dma_wait3A_297] : memref<32768x1024xf32, #tpu.memory_space<hbm>> -> memref<16x1024xf32, #tpu.memory_space<hbm>>
          tpu.wait_dma2 semaphore(%arg15 : memref<!tpu.dma_semaphore, #tpu.memory_space<semaphore_mem>>) src(%arg8 : memref<16x1024xf32, #tpu.memory_space<vmem>>) dst(%dma_wait3A_298 : memref<16x1024xf32, #tpu.memory_space<hbm>>)
        } else {
        }
        %eq3A_241 = arith.constant 0 : i32
        %eq3A_242 = vector.broadcast %eq3A_241 : i32 to vector<16xi32>
        %eq3A_243 = arith.cmpi eq, %get3A_90, %eq3A_242 : vector<16xi32>
        %xor3A_244 = arith.constant 1 : i32
        %xor3A_245 = vector.broadcast %xor3A_244 : i32 to vector<16xi32>
        %xor3A_246 = arith.xori %iota3A, %xor3A_245 : vector<16xi32>
        %broadcast_in_dim3A_247 = vector.shape_cast %xor3A_246 : vector<16xi32> to vector<16x1xi32>
        %gather3A_248 = vector.shape_cast %broadcast_in_dim3A_247 : vector<16x1xi32> to vector<16xi32>
        %gather3A_249 = tpu.dynamic_gather %get3A_90[%gather3A_248] in [0] : vector<16xi32>, vector<16xi32> -> vector<16xi32>
        %min3A_250 = arith.minsi %get3A_90, %gather3A_249 : vector<16xi32>
        %xor3A_251 = arith.constant 2 : i32
        %xor3A_252 = vector.broadcast %xor3A_251 : i32 to vector<16xi32>
        %xor3A_253 = arith.xori %iota3A, %xor3A_252 : vector<16xi32>
        %broadcast_in_dim3A_254 = vector.shape_cast %xor3A_253 : vector<16xi32> to vector<16x1xi32>
        %gather3A_255 = vector.shape_cast %broadcast_in_dim3A_254 : vector<16x1xi32> to vector<16xi32>
        %gather3A_256 = tpu.dynamic_gather %min3A_250[%gather3A_255] in [0] : vector<16xi32>, vector<16xi32> -> vector<16xi32>
        %min3A_257 = arith.minsi %min3A_250, %gather3A_256 : vector<16xi32>
        %xor3A_258 = arith.constant 4 : i32
        %xor3A_259 = vector.broadcast %xor3A_258 : i32 to vector<16xi32>
        %xor3A_260 = arith.xori %iota3A, %xor3A_259 : vector<16xi32>
        %broadcast_in_dim3A_261 = vector.shape_cast %xor3A_260 : vector<16xi32> to vector<16x1xi32>
        %gather3A_262 = vector.shape_cast %broadcast_in_dim3A_261 : vector<16x1xi32> to vector<16xi32>
        %gather3A_263 = tpu.dynamic_gather %min3A_257[%gather3A_262] in [0] : vector<16xi32>, vector<16xi32> -> vector<16xi32>
        %min3A_264 = arith.minsi %min3A_257, %gather3A_263 : vector<16xi32>
        %xor3A_265 = arith.constant 8 : i32
        %xor3A_266 = vector.broadcast %xor3A_265 : i32 to vector<16xi32>
        %xor3A_267 = arith.xori %iota3A, %xor3A_266 : vector<16xi32>
        %broadcast_in_dim3A_268 = vector.shape_cast %xor3A_267 : vector<16xi32> to vector<16x1xi32>
        %gather3A_269 = vector.shape_cast %broadcast_in_dim3A_268 : vector<16x1xi32> to vector<16xi32>
        %gather3A_270 = tpu.dynamic_gather %min3A_264[%gather3A_269] in [0] : vector<16xi32>, vector<16xi32> -> vector<16xi32>
        %min3A_271 = arith.minsi %min3A_264, %gather3A_270 : vector<16xi32>
        %slice3A_272 = vector.extract_strided_slice %min3A_271 {offsets = [0], sizes = [1], strides = [1]} : vector<16xi32> to vector<1xi32>
        %squeeze3A_273 = vector.extract %slice3A_272[0] : i32 from vector<1xi32>
        %eq3A_274 = arith.constant 0 : i32
        %eq3A_275 = arith.cmpi eq, %squeeze3A_273, %eq3A_274 : i32
        %convert_element_type3A_276 = arith.extui %eq3A_275 : i1 to i32
        %cond3A_277 = arith.constant 0 : i32
        %cond3A_278 = arith.cmpi ne, %convert_element_type3A_276, %cond3A_277 : i32
        scf.if %cond3A_278 {
          %jit3A = arith.constant 0 : i32
          %broadcast_in_dim3A_279 = vector.broadcast %jit3A : i32 to vector<16xi32>
          %select_n3A = arith.select %eq3A_243, %broadcast_in_dim3A_279, %add3A_99 : vector<16xi1>, vector<16xi32>
          %dma_start3A_280 = arith.constant 0 : i32
          %dma_start3A_281 = arith.constant 0 : i32
          %dma_start3A_282 = tpu.memref_slice %arg3[%dma_start3A_280, %dma_start3A_281] : memref<8193x1024xf32, #tpu.memory_space<hbm>> -> memref<8193x1024xf32, #tpu.memory_space<hbm>>
          tpu.enqueue_indirect_dma source(%dma_start3A_282 : memref<8193x1024xf32, #tpu.memory_space<hbm>>) target(%arg8 : memref<16x1024xf32, #tpu.memory_space<vmem>>) offsets(%select_n3A : vector<16xi32>) semaphore(%arg15 : memref<!tpu.dma_semaphore, #tpu.memory_space<semaphore_mem>>)
          %dma_wait3A_283 = arith.constant 0 : i32
          %dma_wait3A_284 = arith.constant 0 : i32
          %dma_wait3A_285 = tpu.memref_slice %arg3[%dma_wait3A_283, %dma_wait3A_284] : memref<8193x1024xf32, #tpu.memory_space<hbm>> -> memref<8193x1024xf32, #tpu.memory_space<hbm>>
          tpu.wait_indirect_dma semaphore(%arg15 : memref<!tpu.dma_semaphore, #tpu.memory_space<semaphore_mem>>) src(%dma_wait3A_285 : memref<8193x1024xf32, #tpu.memory_space<hbm>>) dst(%arg8 : memref<16x1024xf32, #tpu.memory_space<vmem>>)
          %add3A_286 = arith.constant 24576 : i32
          %add3A_287 = arith.addi %add3A_286, %mul3A_2 : i32
          %mul3A_288 = arith.constant 16 : i32
          %mul3A_289 = arith.muli %scan3A_63, %mul3A_288 : i32
          %add3A_290 = arith.addi %add3A_287, %mul3A_289 : i32
          %dma_start3A_291 = arith.constant 0 : i32
          %dma_start3A_292 = tpu.memref_slice %arg5[%add3A_290, %dma_start3A_291] : memref<32768x1024xf32, #tpu.memory_space<hbm>> -> memref<16x1024xf32, #tpu.memory_space<hbm>>
          %dma_start3A_293 = arith.constant 0 : i32
          %dma_start3A_294 = tpu.memref_slice %arg5[%add3A_290, %dma_start3A_293] : memref<32768x1024xf32, #tpu.memory_space<hbm>> -> memref<16x1024xf32, #tpu.memory_space<hbm>>
          tpu.enqueue_dma source(%arg8 : memref<16x1024xf32, #tpu.memory_space<vmem>>) target(%dma_start3A_294 : memref<16x1024xf32, #tpu.memory_space<hbm>>) target_semaphore(%arg15 : memref<!tpu.dma_semaphore, #tpu.memory_space<semaphore_mem>>)
          %dma_wait3A_295 = arith.constant 0 : i32
          %dma_wait3A_296 = tpu.memref_slice %arg5[%add3A_290, %dma_wait3A_295] : memref<32768x1024xf32, #tpu.memory_space<hbm>> -> memref<16x1024xf32, #tpu.memory_space<hbm>>
          %dma_wait3A_297 = arith.constant 0 : i32
          %dma_wait3A_298 = tpu.memref_slice %arg5[%add3A_290, %dma_wait3A_297] : memref<32768x1024xf32, #tpu.memory_space<hbm>> -> memref<16x1024xf32, #tpu.memory_space<hbm>>
          tpu.wait_dma2 semaphore(%arg15 : memref<!tpu.dma_semaphore, #tpu.memory_space<semaphore_mem>>) src(%arg8 : memref<16x1024xf32, #tpu.memory_space<vmem>>) dst(%dma_wait3A_298 : memref<16x1024xf32, #tpu.memory_space<hbm>>)
        } else {
        }
      } else {
      }
    }
    %scan3A_62 = arith.constant 16 : i32
    return
  }
}

</mosaic_0001>

<sc_bundles>
// kernel: kernel.3.cloned.1.call-start
scs
__scs_entry_jumppad:
0x0: {  	(pc) =	sbr.rel $0x88, $3  }
0x1: {  	(tag) =	ssettag $0x0;
	lr =	simm.s32 $0x1  }
0x2: {  	[smem:$0x3F9F] =	sst lr;
	_ =	strace $0xD0000000  }
0x3: {  	_ = 	snop  }
0x4: {  	_ = 	snop  }
0x5: {  	_ = 	snop  }
0x6: {  	_ = 	snop  }
0x7: {  	_ = 	snop  }
__scs_overlays_trampoline_lowered:
0x8: {  	[smem:$0x3FAE] =	sst s0  }
0x9: {  	[smem:$0x3FAF] =	sst s1  }
0xa: {  	[smem:$0x3FB0] =	sst s2  }
0xb: {  	[smem:$0x3FB1] =	sst s3  }
0xc: {  	[smem:$0x3FB2] =	sst s4  }
0xd: {  	[smem:$0x3FB3] =	sst s5  }
0xe: {  	[smem:$0x3FB4] =	sst s6  }
0xf: {  	[smem:$0x3FB5] =	sst s7  }
0x10: {  	[smem:$0x3FB6] =	sst s8  }
0x11: {  	[smem:$0x3FB7] =	sst s9;
	s0 =	simm.s32 @!p0 $0x0  }
0x12: {  	s1 =	sld [smem:$0x3F9D];
	s0 =	simm.s32 @p0 $0x1  }
0x13: {  	[smem:$0x3FB8] =	sst s0;
	s0 =	simm.s32 @!p1 $0x0  }
0x14: {  	s2 =	sld [smem:$0x3F9C];
	s0 =	simm.s32 @p1 $0x1  }
0x15: {  	[smem:$0x3FB9] =	sst s0;
	s0 =	simm.s32 @!p2 $0x0  }
0x16: {  	s3 =	sld [smem:$0x3FDB];
	s0 =	simm.s32 @p2 $0x1  }
0x17: {  	s4 =	simm.s32 $0x1BF5;
	[smem:$0x3FBB] =	sst s0  }
0x18: {  	s0 =	sld [smem:$0x3F9E];
	_ =	swait.ge [sflag:s4], $0x0  }
0x19: {  	s7 =	sld [smem:$0x3F9F]  }
0x1a: {  	s8 =	sadd.s32 $0xFFFFE003, lr  }
0x1b: {  	s9 =	sadd.s32 $0xFFFFFEF7, lr;
	s5 =	simm.s32 $0xFFFFFFFF;
	p2 =	slt.u32 s8, $0xFFFFF086  }
0x1c: {  	p1 =	slt.u32 s9, $0xF7A;
	s5 =	simm.s32 @!p2 $0x0  }
0x1d: {  	s5 =	simm.s32 @p1 $0x1;
	p0 =	seq.s32 s7, s2  }
0x1e: {  	s7 =	smul.u32 @!p0 $0xF7A, s2;
	p2 =	seq.s32 @!p0 s5, $0x0  }
0x1f: {  	s9 =	smul.u32 $0xF7A, s1;
	s8 =	simm.s32 @!p0 $0x1BF5;
	p2 =	por !p2, p0  }
0x20: {  	[sflag:s8] =	ssyncset.s32 @!p0 $0xFFFFF086;
	s6 =	sadd.s32 @!p0 s3, s7;
	s7 =	simm.s32 @!p0 $0x108  }
0x21: {  	s3 =	sadd.s32 s3, s9;
	s6 =	sadd.s32 @!p0 $0x88, s6;
	s7 =	simm.s32 @p2 $0x1082  }
0x22: {  	[simem:s7], [sflag:s8] =	dma.local @!p0 [hbm:s6], $0xF7A  }
0x23: {  	s9 =	sor.u32 $0xD0000000, s2;
	s6 =	simm.s32 $0x108;
	_ =	swait.ge @!p0 [sflag:s8], $0x0  }
0x24: {  	s3 =	sadd.s32 $0x88, s3;
	s6 =	simm.s32 @!p1 $0x1082;
	[sflag:s4] =	ssyncset.s32 $0xFFFFF086  }
0x25: {  	[simem:s6], [sflag:s4] =	dma.local [hbm:s3], $0xF7A  }
0x26: {  	[smem:$0x3F9F] =	sst s1;
	(tag) =	ssettag s2;
	_ =	strace s9  }
0x27: {  	s1 =	sld [smem:$0x3FAF]  }
0x28: {  	s2 =	sld [smem:$0x3FB0]  }
0x29: {  	s4 =	sld [smem:$0x3FB2]  }
0x2a: {  	p0 =	seq.s32 s5, $0x0;
	s5 =	sld [smem:$0x3FB3]  }
0x2b: {  	s6 =	sld [smem:$0x3FB4]  }
0x2c: {  	s7 =	sld [smem:$0x3FB5]  }
0x2d: {  	s3 =	simm.s32 $0x108;
	s8 =	sld [smem:$0x3FB6]  }
0x2e: {  	s3 =	simm.s32 @!p0 $0x1082;
	s9 =	sld [smem:$0x3FB7]  }
0x2f: {  	lr =	sadd.s32 s0, s3;
	s0 =	sld [smem:$0x3FAE]  }
0x30: {  	s3 =	sld [smem:$0x3FB1]  }
0x31: {  	[smem:$0x3FBA] =	sst s10  }
0x32: {  	s10 =	sld [smem:$0x3FB8];
	_ =	sdelay $0x3  }
0x33: {  	p0 =	seq.s32 s10, $0x1;
	s10 =	sld [smem:$0x3FBA];
	_ =	sdelay $0x3  }
0x34: {  	[smem:$0x3FBA] =	sst s10  }
0x35: {  	s10 =	sld [smem:$0x3FB9];
	_ =	sdelay $0x3  }
0x36: {  	p1 =	seq.s32 s10, $0x1;
	s10 =	sld [smem:$0x3FBA];
	_ =	sdelay $0x3  }
0x37: {  	[smem:$0x3FBA] =	sst s10  }
0x38: {  	s10 =	sld [smem:$0x3FBB]  }
0x39: {  	_ = 	snop;
	(pc) =	sbr.ind lr, $3  }
0x3a: {  	_ = 	snop  }
0x3b: {  	_ = 	snop  }
0x3c: {  	p2 =	seq.s32 s10, $0x1;
	s10 =	sld [smem:$0x3FBA]  }
0x3d: {  	_ =	shalt  }
0x3e: {  	_ =	shalt  }
0x3f: {  	_ =	shalt  }
0x40: {  	_ =	shalt  }
0x41: {  	_ =	shalt  }
0x42: {  	_ =	shalt  }
0x43: {  	_ =	shalt  }
0x44: {  	_ =	shalt  }
0x45: {  	_ =	shalt  }
0x46: {  	_ =	shalt  }
0x47: {  	_ =	shalt  }
0x48: {  	_ =	shalt  }
0x49: {  	_ =	shalt  }
0x4a: {  	_ =	shalt  }
0x4b: {  	_ =	shalt  }
0x4c: {  	_ =	shalt  }
0x4d: {  	_ =	shalt  }
0x4e: {  	_ =	shalt  }
0x4f: {  	_ =	shalt  }
0x50: {  	_ =	shalt  }
0x51: {  	_ =	shalt  }
0x52: {  	_ =	shalt  }
0x53: {  	_ =	shalt  }
0x54: {  	_ =	shalt  }
0x55: {  	_ =	shalt  }
0x56: {  	_ =	shalt  }
0x57: {  	_ =	shalt  }
0x58: {  	_ =	shalt  }
0x59: {  	_ =	shalt  }
0x5a: {  	_ =	shalt  }
0x5b: {  	_ =	shalt  }
0x5c: {  	_ =	shalt  }
0x5d: {  	_ =	shalt  }
0x5e: {  	_ =	shalt  }
0x5f: {  	_ =	shalt  }
0x60: {  	_ =	shalt  }
0x61: {  	_ =	shalt  }
0x62: {  	_ =	shalt  }
0x63: {  	_ =	shalt  }
0x64: {  	_ =	shalt  }
0x65: {  	_ =	shalt  }
0x66: {  	_ =	shalt  }
0x67: {  	_ =	shalt  }
0x68: {  	_ =	shalt  }
0x69: {  	_ =	shalt  }
0x6a: {  	_ =	shalt  }
0x6b: {  	_ =	shalt  }
0x6c: {  	_ =	shalt  }
0x6d: {  	_ =	shalt  }
0x6e: {  	_ =	shalt  }
0x6f: {  	_ =	shalt  }
0x70: {  	_ =	shalt  }
0x71: {  	_ =	shalt  }
0x72: {  	_ =	shalt  }
0x73: {  	_ =	shalt  }
0x74: {  	_ =	shalt  }
0x75: {  	_ =	shalt  }
0x76: {  	_ =	shalt  }
0x77: {  	_ =	shalt  }
0x78: {  	_ =	shalt  }
0x79: {  	_ =	shalt  }
0x7a: {  	_ =	shalt  }
0x7b: {  	_ =	shalt  }
0x7c: {  	_ =	shalt  }
0x7d: {  	_ =	shalt  }
0x7e: {  	_ =	shalt  }
0x7f: {  	_ =	shalt  }
0x80: {  	_ =	shalt  }
0x81: {  	_ =	shalt  }
0x82: {  	_ =	shalt  }
0x83: {  	_ =	shalt  }
0x84: {  	_ =	shalt  }
0x85: {  	_ =	shalt  }
0x86: {  	_ =	shalt  }
0x87: {  	_ =	shalt  }
.Lfunc_end0:
.L_simem_size_0:
called_computation_lowered:
.L_overlay_start_0:
0x88: {  	s2 =	sld [smem:$0x3FD9]  }
0x89: {  	s3 =	sld [smem:$0x3FFE];
	_ =	sdelay $0x1  }
0x8a: {  	s1 =	srdreg.scid  }
0x8b: {  	s0 =	sand.u32 $0x1, s1  }
0x8c: {  	s17 =	sshll.u32 s0, $0xA;
	s2 =	sadd.s32 s3, s2  }
0x8d: {  	s2 =	sadd.s32 s2, s17  }
0x8e: {  	[smem:$0x3FC6] =	sst s2  }
0x8f: {  	_ = 	snop  }
0x90: {  	s2 =	sld [smem:$0x3FC8]  }
0x91: {  	s18 =	sld [smem:$0x3FD0];
	(tm) =	ssettm $0x1  }
0x92: {  	s4 =	sld [smem:$0x3FFB];
	_ =	sdelay $0x3  }
0x93: {  	_ =	strace s4  }
0x94: {  	s4 =	sld [smem:$0x3FFC];
	_ =	sdelay $0x3  }
0x95: {  	_ =	strace s4  }
0x96: {  	s4 =	sld [smem:$0x3FFD];
	_ =	sdelay $0x3  }
0x97: {  	_ =	strace s4  }
0x98: {  	_ =	strace $0x8FFFFFFF  }
0x99: {  	s19 =	sld [smem:$0x3FDB];
	_ =	sdelay $0x1  }
0x9a: {  	s5 =	simm.s32 $_scs_section_size  }
0x9b: {  	s6 =	simm.s32 $_size__tile_overlayer_lowered;
	s7 =	simm.s32 $_tile_overlayer_lowered  }
0x9c: {  	s22 =	simm.s32 $0x1BFF;
	s21 =	sshll.u32 s7, $0x1;
	s4 =	sadd.s32 s5, s19  }
0x9d: {  	s8 =	simm.s32 $0x0;
	s20 =	sshll.u32 s6, $0x1;
	s6 =	sadd.s32 s21, s4  }
0x9e: {  	[timem:s8], [sflag:s22] =	dma.local [hbm:s6], s20  }
0x9f: {  	_ =	swait.ge [sflag:s22], s20  }
0xa0: {  	s5 =	ssub.s32 $0x0, s20;
	[sflag:s22] =	ssyncset.done $0x0  }
0xa1: {  	[sflag:s22] =	ssyncadd.s32 s5;
	_ =	sdelay $0x1  }
0xa2: {  	s23 =	simm.s32 $0x1B8B  }
0xa3: {  	_ =	swait.ge [sflag:s23], $0x1  }
0xa4: {  	[sflag:s23] =	ssyncset.done $0x0  }
0xa5: {  	s25 =	simm.s32 $0x1B8E;
	s24 =	sld [smem:$0x3FFE];
	[sflag:s23] =	ssyncadd.s32 $0xFFFFFFFF  }
0xa6: {  	s26 =	simm.s32 $execute0_lowered;
	[smem:$0x3FD2] =	sst s25  }
0xa7: {  	s6 =	sshll.u32 s26, $0x1;
	_ =	strace $0x80000046;
	[dreg:$0x1] =	wrdreg $0xFFFFFFFF  }
0xa8: {  	s28 =	simm.s32 $_size_execute0_lowered;
	s4 =	sadd.s32 s4, s6;
	[dreg:$0x0] =	wrdreg $0x0  }
0xa9: {  	s6 =	sshll.u32 s28, $0x1;
	[dreg:$0x2] =	wrdreg s4  }
0xaa: {  	[dreg:$0x3] =	wrdreg s6  }
0xab: {  	[dreg:$0x4] =	wrdreg $0xC0  }
0xac: {  	_ =	task [dreg:s8], $0x5FFFF  }
0xad: {  	[dreg:$0x1] =	wrdreg $0xFFFFFFFF  }
0xae: {  	[dreg:$0x0] =	wrdreg $0x60  }
0xaf: {  	[dreg:$0x2] =	wrdreg s24  }
0xb0: {  	[dreg:$0x3] =	wrdreg s2  }
0xb1: {  	[dreg:$0x4] =	wrdreg s18  }
0xb2: {  	[dreg:$0x5] =	wrdreg $0x9  }
0xb3: {  	_ =	task.clear_ibuf [dreg:s8], $0x6FFFF;
	_ =	strace $0x90000046  }
0xb4: {  	s29 =	simm.s32 $0x9;
	_ =	strace $0x80000048  }
0xb5: {  	_ =	swait.ge [sflag:s29], $0x1  }
0xb6: {  	[sflag:s29] =	ssyncadd.s32 $0xFFFFFFFF  }
0xb7: {  	_ =	strace $0x90000048  }
0xb8: {  	_ =	sfence  }
0xb9: {  	s30 =	sld [smem:$0x0];
	_ =	sdelay $0x2  }
0xba: {  	s31 =	sshll.u32 s1, $0xD;
	s1 =	sshrl.u32 s1, $0x2  }
0xbb: {  	s3 =	sand.u32 $0x4000, s31;
	s1 =	sadd.s32 s1, s30  }
0xbc: {  	s0 =	sor.u32 s3, s0;
	s1 =	sshll.u32 s1, $0x11  }
0xbd: {  	s0 =	sor.u32 s1, s0  }
0xbe: {  	s0 =	sadd.s32 $0x8F2B, s0  }
0xbf: {  	[sflag:s0] =	ssyncadd.remote.s32 $0x1  }
0xc0: {  	_ =	sfence.sel $0xFFFF  }
0xc1: {  	[dreg:$0x0] =	wrdreg $0xFFFFFFFF;
	(pc) =	sbr.abs _section_cstart, $3  }
0xc2: {  	[dreg:$0x1] =	wrdreg $0xFFFFFFFF  }
0xc3: {  	_ =	task.clear_ibuf [dreg:s8], $0x2FFFF;
	_ =	strace $0x9FFFFFFF  }
0xc4: {  	(tm) =	ssettm $0x7FFFFFFF  }
0xc5: {  	_ =	shalt  }
tec
execute0_lowered:
.L_overlay_start_1:
0x0: {  	(tag) =	ssettag $0x1  }
0x1: {  	s0 =	rddreg [dreg:$0x0]  }
0x2: {  	s2 =	rddreg [dreg:$0x1]  }
0x3: {  	s1 =	rddreg [dreg:$0x2]  }
0x4: {  	s3 =	srdreg.scid;
	s11 =	stileid.u32;
	s12 =	simm.s32 $0xF500  }
0x5: {  	s15 =	simm.s32 $0xFD00;
	s28 =	simm.s32 $0x13500;
	s29 =	simm.s32 $0x13D00  }
0x6: {  	s30 =	simm.s32 $0x1;
	s31 =	simm.s32 $0x2;
	s4 =	sand.u32 $0x1, s3  }
0x7: {  	s3 =	simm.s32 $0x0;
	s5 =	sshll.u32 s11, $0x9;
	s8 =	sadd.s32 $0x800, s0  }
0x8: {  	s24 =	sshll.u32 s11, $0x10;
	s11 =	sadd.s32 $0x300, s2;
	s6 =	sshll.u32 s4, $0x8  }
0x9: {  	[smem:$0x7FF] =	sst s3;
	s7 =	ssub.s32 $0x2, s4;
	s25 =	sshll.u32 s4, $0xF  }
0xa: {  	s5 =	sor.u32 s6, s5;
	_ =	strace $0x80000047;
	s9 =	sshrl.u32 s7, $0x1  }
0xb: {  	v0 =	vimm.s32 $0xEFCDAB89;
	s6 =	sshrl.u32 s5, $0x3;
	s7 =	ssub.s32 s7, s9;
	s19 =	sor.u32 $0x2000, s5  }
0xc: {  	v1 =	vunpack.c.l.s4.s8 v0;
	v0 =	vimm.s32 $0x67452301;
	s20 =	sor.u32 $0x4000, s5;
	s10 =	sor.u32 $0x6000, s5;
	s9 =	sadd.s32 $0x100, s2  }
0xd: {  	v3 =	vimm.s32 $0xDCFE98BA;
	v2 =	vunpack.c.l.s4.s8 v0;
	s14 =	sor.u32 $0x1, s5;
	s5 =	simm.s32 $0x0;
	s0 =	sadd.s32 s6, s0  }
0xe: {  	v5 =	vimm.s32 $0x54761032;
	v6 =	vimm.s32 $0xBA98FEDC;
	v7 =	vimm.s32 $0x32107654;
	s6 =	sadd.s32 s8, s6;
	s21 =	sshrl.u32 s20, $0x3;
	s22 =	sshrl.u32 s10, $0x3  }
0xf: {  	v8 =	vimm.s32 $0x76543210;
	v4 =	vunpack.c.0.s8.s32 v1;
	v2 =	vunpack.c.0.s8.s32 v2;
	s10 =	sadd.s32 $0x200, s2;
	s26 =	smax.u32 s7, $0x1;
	s20 =	simm.s32 $0x4500  }
0x10: {  	vm0 =	vmmov $0xffff;
	v3 =	vunpack.c.l.s4.s8 v3;
	v5 =	vunpack.c.l.s4.s8 v5;
	[dreg:$0x4] =	wrdreg s6;
	s6 =	sshrl.u32 s19, $0x3;
	s23 =	sadd.s32 s8, s22  }
0x11: {  	v6 =	vunpack.c.l.s4.s8 v6;
	s0 =	sadd.s32 $0x400, s0;
	[dreg:$0x9] =	wrdreg s26;
	v2 =	vcombine.low v2, v4;
	v4 =	vimm.s32 $0xFEDCBA98;
	s19 =	simm.s32 $0xC500  }
0x12: {  	v7 =	vunpack.c.l.s4.s8 v7;
	v8 =	vunpack.c.l.s4.s8 v8;
	s22 =	simm.s32 $0x10D00;
	s26 =	simm.s32 $0x12D00;
	[dreg:$0x7] =	wrdreg s23;
	v4 =	vunpack.c.l.s4.s8 v4  }
.Ltmp0:
0x13: {  	v0 =	vlaneseq.u32;
	v3 =	vunpack.c.0.s8.s32 v3;
	v5 =	vunpack.c.0.s8.s32 v5;
	s6 =	sadd.s32 s8, s6;
	[dreg:$0x8] =	wrdreg s0;
	(pc) =	sbr.rel .LBB2_1-.Ltmp0, $4  }
0x14: {  	v6 =	vunpack.c.0.s8.s32 v6;
	v7 =	vunpack.c.0.s8.s32 v7;
	s0 =	sadd.s32 s24, s1;
	s23 =	simm.s32 $0x11500;
	s24 =	simm.s32 $0x11D00;
	v9 =	vunpack.c.0.s8.s32 v4  }
0x15: {  	v8 =	vunpack.c.0.s8.s32 v8;
	v3 =	vcombine.low v5, v3;
	v5 =	vshrl.u32 v0, $0x3;
	s1 =	simm.s32 $0x4;
	[dreg:$0x5] =	wrdreg s6;
	s6 =	sadd.s32 s8, s21  }
0x16: {  	v1 =	vand.u32 $0x7, v0;
	s13 =	sadd.s32 s25, s0;
	s8 =	simm.s32 $0xED00;
	s21 =	simm.s32 $0x10500;
	v4 =	vmul.u32 $0x8, v5;
	v9 =	vand.u32 $0xF, v9  }
0x17: {  	s25 =	simm.s32 $0x12500;
	s0 =	simm.s32 $0x3;
	[dreg:$0x6] =	wrdreg s6;
	v5 =	vcombine.low v7, v6;
	v6 =	vor.u32 $0x8, v0;
	v7 =	vcombine.low v9, v8  }
.LBB2_8:
0x18: {  	s5 =	rddreg [dreg:$0xa]  }
0x19: {  	s4 =	rddreg [dreg:$0x9];
	s5 =	sadd.s32 $0x1, s5  }
0x1a: {  	p0 =	sne.s32 s5, s4  }
.Ltmp1:
0x1b: {  	_ = 	snop;
	(pc) =	sbr.rel @!p0 .LBB2_9-.Ltmp1, $1  }
0x1c: {  	_ =	sdelay $0x3  }
.LBB2_1:
0x1d: {  	[dreg:$0xa] =	wrdreg s5  }
0x1e: {  	s4 =	rddreg [dreg:$0x4];
	s5 =	simm.s32 $0x6  }
0x1f: {  	[tilespmem:s3], [sflag:$0x6] =	stream.linear.gather [hbm4b:s4+s3], $0x100, $0x38;
	[tilespmem:$0x14500] =	vst v63  }
0x20: {  	_ =	swait.ge [sflag:s5], $0x100  }
0x21: {  	[sflag:s5] =	ssyncset.done $0x0  }
0x22: {  	s6 =	simm.s32 $0x100;
	s16 =	rddreg [dreg:$0x5];
	[sflag:s5] =	ssyncadd.s32 $0xFFFFFF00  }
0x23: {  	[tilespmem:s6], [sflag:$0x6] =	stream.linear.gather [hbm4b:s16+s3], $0x100, $0x38;
	[tilespmem:$0x14500] =	vst v63  }
0x24: {  	_ =	swait.ge [sflag:s5], $0x100  }
0x25: {  	[sflag:s5] =	ssyncset.done $0x0  }
0x26: {  	s18 =	simm.s32 $0x200;
	s17 =	rddreg [dreg:$0x6];
	[sflag:s5] =	ssyncadd.s32 $0xFFFFFF00  }
0x27: {  	[tilespmem:s18], [sflag:$0x6] =	stream.linear.gather [hbm4b:s17+s3], $0x100, $0x38;
	[tilespmem:$0x14500] =	vst v63  }
0x28: {  	_ =	swait.ge [sflag:s5], $0x100  }
0x29: {  	[sflag:s5] =	ssyncset.done $0x0  }
0x2a: {  	s7 =	simm.s32 $0x300;
	s6 =	rddreg [dreg:$0x7];
	[sflag:s5] =	ssyncadd.s32 $0xFFFFFF00  }
0x2b: {  	[tilespmem:s7], [sflag:$0x6] =	stream.linear.gather [hbm4b:s6+s3], $0x100, $0x38;
	[tilespmem:$0x14500] =	vst v63  }
0x2c: {  	_ =	swait.ge [sflag:s5], $0x100  }
0x2d: {  	[sflag:s5] =	ssyncset.done $0x0  }
0x2e: {  	s17 =	simm.s32 $0x400;
	s16 =	rddreg [dreg:$0x8];
	[sflag:s5] =	ssyncadd.s32 $0xFFFFFF00  }
0x2f: {  	[tilespmem:s17], [sflag:$0x6] =	stream.linear.gather [hbm4b:s16+s3], $0x100, $0x38;
	[tilespmem:$0x14500] =	vst v63  }
0x30: {  	_ =	swait.ge [sflag:s5], $0x100  }
0x31: {  	[sflag:s5] =	ssyncset.done $0x0  }
0x32: {  	[sflag:s5] =	ssyncadd.s32 $0xFFFFFF00  }
0x33: {  	v8 =	vld [tilespmem:$0x400];
	_ =	sdelay $0x4  }
0x34: {  	v9 =	vshll.u32 v8, $0x3  }
0x35: {  	v8 =	vand.u32 $0x7, v8;
	v9 =	vand.u32 $0xFFFFFFC0, v9  }
0x36: {  	v8 =	vor.u32 v8, v9  }
0x37: {  	v9 =	vperm.xlane v8, v1;
	_ =	sdelay $0x1  }
0x38: {  	v9 =	vadd.s32 v4, v9;
	_ =	sdelay $0x4  }
0x39: {  	[tilespmem:s20], [sflag:$0x1] =	stream.indirect_vreg.gather [hbm4b:s2+s3], $0x80, v9, vm0, $0xb8;
	[tilespmem:$0x14500] =	vst v63  }
0x3a: {  	s18 =	simm.s32 $0x4D00;
	v8 =	vperm.xlane v8, v6  }
0x3b: {  	[tilespmem:s18], [sflag:$0x1] =	stream.indirect_vreg.gather [hbm4b:s9+s3], $0x80, v9, vm0, $0xb8;
	[tilespmem:$0x14500] =	vst v63  }
0x3c: {  	s5 =	simm.s32 $0x5500;
	v8 =	vadd.s32 v4, v8  }
0x3d: {  	[tilespmem:s5], [sflag:$0x1] =	stream.indirect_vreg.gather [hbm4b:s10+s3], $0x80, v9, vm0, $0xb8;
	[tilespmem:$0x14500] =	vst v63  }
0x3e: {  	s6 =	simm.s32 $0x5D00  }
0x3f: {  	[tilespmem:s6], [sflag:$0x1] =	stream.indirect_vreg.gather [hbm4b:s11+s3], $0x80, v9, vm0, $0xb8;
	[tilespmem:$0x14500] =	vst v63  }
0x40: {  	s7 =	simm.s32 $0x6500  }
0x41: {  	[tilespmem:s7], [sflag:$0x1] =	stream.indirect_vreg.gather [hbm4b:s2+s3], $0x80, v8, vm0, $0xb8;
	[tilespmem:$0x14500] =	vst v63  }
0x42: {  	s16 =	simm.s32 $0x6D00  }
0x43: {  	[tilespmem:s16], [sflag:$0x1] =	stream.indirect_vreg.gather [hbm4b:s9+s3], $0x80, v8, vm0, $0xb8;
	[tilespmem:$0x14500] =	vst v63  }
0x44: {  	s17 =	simm.s32 $0x7500  }
0x45: {  	[tilespmem:s17], [sflag:$0x1] =	stream.indirect_vreg.gather [hbm4b:s10+s3], $0x80, v8, vm0, $0xb8;
	[tilespmem:$0x14500] =	vst v63  }
0x46: {  	s18 =	simm.s32 $0x7D00  }
0x47: {  	[tilespmem:s18], [sflag:$0x1] =	stream.indirect_vreg.gather [hbm4b:s11+s3], $0x80, v8, vm0, $0xb8;
	[tilespmem:$0x14500] =	vst v63  }
0x48: {  	v8 =	vld [tilespmem:$0x410];
	_ =	sdelay $0x4  }
0x49: {  	v61 =	vshll.u32 v8, $0x3  }
0x4a: {  	v8 =	vand.u32 $0x7, v8;
	v9 =	vand.u32 $0xFFFFFFC0, v61  }
0x4b: {  	v8 =	vor.u32 v8, v9  }
0x4c: {  	v9 =	vperm.xlane v8, v1;
	_ =	sdelay $0x1  }
0x4d: {  	v9 =	vadd.s32 v4, v9;
	_ =	sdelay $0x3  }
0x4e: {  	s5 =	simm.s32 $0x8500  }
0x4f: {  	[tilespmem:s5], [sflag:$0x1] =	stream.indirect_vreg.gather [hbm4b:s2+s3], $0x80, v9, vm0, $0xb8;
	[tilespmem:$0x14500] =	vst v63  }
0x50: {  	s6 =	simm.s32 $0x8D00;
	v8 =	vperm.xlane v8, v6  }
0x51: {  	[tilespmem:s6], [sflag:$0x1] =	stream.indirect_vreg.gather [hbm4b:s9+s3], $0x80, v9, vm0, $0xb8;
	[tilespmem:$0x14500] =	vst v63  }
0x52: {  	s7 =	simm.s32 $0x9500;
	v8 =	vadd.s32 v4, v8  }
0x53: {  	[tilespmem:s7], [sflag:$0x1] =	stream.indirect_vreg.gather [hbm4b:s10+s3], $0x80, v9, vm0, $0xb8;
	[tilespmem:$0x14500] =	vst v63  }
0x54: {  	s16 =	simm.s32 $0x9D00  }
0x55: {  	[tilespmem:s16], [sflag:$0x1] =	stream.indirect_vreg.gather [hbm4b:s11+s3], $0x80, v9, vm0, $0xb8;
	[tilespmem:$0x14500] =	vst v63  }
0x56: {  	s17 =	simm.s32 $0xA500  }
0x57: {  	[tilespmem:s17], [sflag:$0x1] =	stream.indirect_vreg.gather [hbm4b:s2+s3], $0x80, v8, vm0, $0xb8;
	[tilespmem:$0x14500] =	vst v63  }
0x58: {  	s18 =	simm.s32 $0xAD00  }
0x59: {  	[tilespmem:s18], [sflag:$0x1] =	stream.indirect_vreg.gather [hbm4b:s9+s3], $0x80, v8, vm0, $0xb8;
	[tilespmem:$0x14500] =	vst v63  }
0x5a: {  	s5 =	simm.s32 $0xB500  }
0x5b: {  	[tilespmem:s5], [sflag:$0x1] =	stream.indirect_vreg.gather [hbm4b:s10+s3], $0x80, v8, vm0, $0xb8;
	[tilespmem:$0x14500] =	vst v63  }
0x5c: {  	s6 =	simm.s32 $0xBD00  }
0x5d: {  	[tilespmem:s6], [sflag:$0x1] =	stream.indirect_vreg.gather [hbm4b:s11+s3], $0x80, v8, vm0, $0xb8;
	[tilespmem:$0x14500] =	vst v63  }
0x5e: {  	v8 =	vld [tilespmem:$0x420];
	_ =	sdelay $0x4  }
0x5f: {  	v62 =	vshll.u32 v8, $0x3  }
0x60: {  	v8 =	vand.u32 $0x7, v8;
	v9 =	vand.u32 $0xFFFFFFC0, v62  }
0x61: {  	v8 =	vor.u32 v8, v9  }
0x62: {  	v9 =	vperm.xlane v8, v1;
	_ =	sdelay $0x1  }
0x63: {  	v9 =	vadd.s32 v4, v9;
	_ =	sdelay $0x4  }
0x64: {  	[tilespmem:s19], [sflag:$0x2] =	stream.indirect_vreg.gather [hbm4b:s2+s3], $0x80, v9, vm0, $0xb8;
	[tilespmem:$0x14500] =	vst v63  }
0x65: {  	s7 =	simm.s32 $0xCD00;
	v8 =	vperm.xlane v8, v6  }
0x66: {  	[tilespmem:s7], [sflag:$0x2] =	stream.indirect_vreg.gather [hbm4b:s9+s3], $0x80, v9, vm0, $0xb8;
	[tilespmem:$0x14500] =	vst v63  }
0x67: {  	s16 =	simm.s32 $0xD500;
	v8 =	vadd.s32 v4, v8  }
0x68: {  	[tilespmem:s16], [sflag:$0x2] =	stream.indirect_vreg.gather [hbm4b:s10+s3], $0x80, v9, vm0, $0xb8;
	[tilespmem:$0x14500] =	vst v63  }
0x69: {  	s17 =	simm.s32 $0xDD00  }
0x6a: {  	[tilespmem:s17], [sflag:$0x2] =	stream.indirect_vreg.gather [hbm4b:s11+s3], $0x80, v9, vm0, $0xb8;
	[tilespmem:$0x14500] =	vst v63  }
0x6b: {  	s18 =	simm.s32 $0xE500  }
0x6c: {  	[tilespmem:s18], [sflag:$0x2] =	stream.indirect_vreg.gather [hbm4b:s2+s3], $0x80, v8, vm0, $0xb8;
	[tilespmem:$0x14500] =	vst v63  }
0x6d: {  	_ = 	snop  }
0x6e: {  	[tilespmem:s8], [sflag:$0x2] =	stream.indirect_vreg.gather [hbm4b:s9+s3], $0x80, v8, vm0, $0xb8;
	[tilespmem:$0x14500] =	vst v63  }
0x6f: {  	_ = 	snop  }
0x70: {  	[tilespmem:s12], [sflag:$0x2] =	stream.indirect_vreg.gather [hbm4b:s10+s3], $0x80, v8, vm0, $0xb8;
	[tilespmem:$0x14500] =	vst v63  }
0x71: {  	_ = 	snop  }
0x72: {  	[tilespmem:s15], [sflag:$0x2] =	stream.indirect_vreg.gather [hbm4b:s11+s3], $0x80, v8, vm0, $0xb8;
	[tilespmem:$0x14500] =	vst v63  }
0x73: {  	v8 =	vld [tilespmem:$0x430];
	_ =	sdelay $0x4  }
0x74: {  	v63 =	vshll.u32 v8, $0x3  }
0x75: {  	v8 =	vand.u32 $0x7, v8;
	v9 =	vand.u32 $0xFFFFFFC0, v63  }
0x76: {  	v8 =	vor.u32 v8, v9  }
0x77: {  	v9 =	vperm.xlane v8, v1;
	_ =	sdelay $0x1  }
0x78: {  	v9 =	vadd.s32 v4, v9;
	_ =	sdelay $0x4  }
0x79: {  	[tilespmem:s21], [sflag:$0x2] =	stream.indirect_vreg.gather [hbm4b:s2+s3], $0x80, v9, vm0, $0xb8;
	[tilespmem:$0x14500] =	vst v63  }
0x7a: {  	v8 =	vperm.xlane v8, v6  }
0x7b: {  	[tilespmem:s22], [sflag:$0x2] =	stream.indirect_vreg.gather [hbm4b:s9+s3], $0x80, v9, vm0, $0xb8;
	[tilespmem:$0x14500] =	vst v63  }
0x7c: {  	v8 =	vadd.s32 v4, v8  }
0x7d: {  	[tilespmem:s23], [sflag:$0x2] =	stream.indirect_vreg.gather [hbm4b:s10+s3], $0x80, v9, vm0, $0xb8;
	[tilespmem:$0x14500] =	vst v63  }
0x7e: {  	_ = 	snop  }
0x7f: {  	[tilespmem:s24], [sflag:$0x2] =	stream.indirect_vreg.gather [hbm4b:s11+s3], $0x80, v9, vm0, $0xb8;
	[tilespmem:$0x14500] =	vst v63  }
0x80: {  	_ = 	snop  }
0x81: {  	[tilespmem:s25], [sflag:$0x2] =	stream.indirect_vreg.gather [hbm4b:s2+s3], $0x80, v8, vm0, $0xb8;
	[tilespmem:$0x14500] =	vst v63  }
0x82: {  	_ = 	snop  }
0x83: {  	[tilespmem:s26], [sflag:$0x2] =	stream.indirect_vreg.gather [hbm4b:s9+s3], $0x80, v8, vm0, $0xb8;
	[tilespmem:$0x14500] =	vst v63  }
0x84: {  	_ = 	snop  }
0x85: {  	[tilespmem:s28], [sflag:$0x2] =	stream.indirect_vreg.gather [hbm4b:s10+s3], $0x80, v8, vm0, $0xb8;
	[tilespmem:$0x14500] =	vst v63  }
0x86: {  	s16 =	simm.s32 $0x470;
	s17 =	simm.s32 $0x0  }
0x87: {  	[tilespmem:s29], [sflag:$0x2] =	stream.indirect_vreg.gather [hbm4b:s11+s3], $0x80, v8, vm0, $0xb8;
	[tilespmem:$0x14500] =	vst v63  }
.LBB2_2:
0x88: {  	_ =	swait.ge [sflag:s30], $0x8000  }
0x89: {  	[sflag:s30] =	ssyncset.done $0x0  }
0x8a: {  	s18 =	sadd.s32 s17, s13;
	[sflag:s30] =	ssyncadd.s32 $0xFFFF8000  }
0x8b: {  	[hbm4b:s18+s3] =	stream.linear.scatter [tilespmem:s20], [sflag:$0x3], $0x8000, $0x38;
	[tilespmem:$0x14500] =	vst v63  }
0x8c: {  	s4 =	sadd.s32 $0x100000, s18  }
0x8d: {  	[hbm4b:s4+s3] =	stream.linear.scatter [tilespmem:s20], [sflag:$0x3], $0x8000, $0x38;
	[tilespmem:$0x14500] =	vst v63  }
0x8e: {  	s6 =	sadd.s32 $0x200000, s18  }
0x8f: {  	[hbm4b:s6+s3] =	stream.linear.scatter [tilespmem:s20], [sflag:$0x3], $0x8000, $0x38;
	[tilespmem:$0x14500] =	vst v63  }
0x90: {  	s7 =	sadd.s32 $0x300000, s18  }
0x91: {  	[hbm4b:s7+s3] =	stream.linear.scatter [tilespmem:s20], [sflag:$0x3], $0x8000, $0x38;
	[tilespmem:$0x14500] =	vst v63  }
0x92: {  	_ =	swait.ge [sflag:s31], $0x8000  }
0x93: {  	[sflag:s31] =	ssyncset.done $0x0  }
0x94: {  	s5 =	sadd.s32 $0x1000, s18;
	[sflag:s31] =	ssyncadd.s32 $0xFFFF8000  }
0x95: {  	[hbm4b:s5+s3] =	stream.linear.scatter [tilespmem:s19], [sflag:$0x4], $0x8000, $0x38;
	[tilespmem:$0x14500] =	vst v63  }
0x96: {  	p0 =	seq.s32 s17, $0x6000;
	s6 =	sadd.s32 $0x101000, s18  }
0x97: {  	[hbm4b:s6+s3] =	stream.linear.scatter [tilespmem:s19], [sflag:$0x4], $0x8000, $0x38;
	[tilespmem:$0x14500] =	vst v63  }
.Ltmp2:
0x98: {  	_ = 	snop;
	(pc) =	sbr.rel @p0 .LBB2_4-.Ltmp2, $4  }
0x99: {  	s7 =	sadd.s32 $0x201000, s18  }
0x9a: {  	[hbm4b:s7+s3] =	stream.linear.scatter [tilespmem:s19], [sflag:$0x4], $0x8000, $0x38;
	[tilespmem:$0x14500] =	vst v63  }
0x9b: {  	s18 =	sadd.s32 $0x301000, s18  }
0x9c: {  	[hbm4b:s18+s3] =	stream.linear.scatter [tilespmem:s19], [sflag:$0x4], $0x8000, $0x38;
	[tilespmem:$0x14500] =	vst v63  }
0x9d: {  	_ =	swait.ge [sflag:s0], $0x8000  }
0x9e: {  	[sflag:s0] =	ssyncset.done $0x0  }
0x9f: {  	[sflag:s0] =	ssyncadd.s32 $0xFFFF8000  }
0xa0: {  	_ =	swait.ge [sflag:s0], $0x8000  }
0xa1: {  	[sflag:s0] =	ssyncset.done $0x0  }
0xa2: {  	[sflag:s0] =	ssyncadd.s32 $0xFFFF8000  }
0xa3: {  	_ =	swait.ge [sflag:s0], $0x8000  }
0xa4: {  	[sflag:s0] =	ssyncset.done $0x0  }
0xa5: {  	[sflag:s0] =	ssyncadd.s32 $0xFFFF8000  }
0xa6: {  	_ =	swait.ge [sflag:s0], $0x8000  }
0xa7: {  	[sflag:s0] =	ssyncset.done $0x0  }
0xa8: {  	[sflag:s0] =	ssyncadd.s32 $0xFFFF8000  }
0xa9: {  	v8 =	vld [tilespmem:s16+$0xFFFFFFD0];
	_ =	sdelay $0x4  }
0xaa: {  	v9 =	vshll.u32 v8, $0x3  }
0xab: {  	v8 =	vand.u32 $0x7, v8;
	v9 =	vand.u32 $0xFFFFFFC0, v9  }
0xac: {  	v8 =	vor.u32 v8, v9  }
0xad: {  	v9 =	vperm.xlane v8, v1;
	_ =	sdelay $0x1  }
0xae: {  	v9 =	vadd.s32 v4, v9;
	_ =	sdelay $0x4  }
0xaf: {  	[tilespmem:s20], [sflag:$0x1] =	stream.indirect_vreg.gather [hbm4b:s2+s3], $0x80, v9, vm0, $0xb8;
	[tilespmem:$0x14500] =	vst v63  }
0xb0: {  	s4 =	simm.s32 $0x4D00;
	v8 =	vperm.xlane v8, v6  }
0xb1: {  	[tilespmem:s4], [sflag:$0x1] =	stream.indirect_vreg.gather [hbm4b:s9+s3], $0x80, v9, vm0, $0xb8;
	[tilespmem:$0x14500] =	vst v63  }
0xb2: {  	s7 =	simm.s32 $0x5500;
	v8 =	vadd.s32 v4, v8  }
0xb3: {  	[tilespmem:s7], [sflag:$0x1] =	stream.indirect_vreg.gather [hbm4b:s10+s3], $0x80, v9, vm0, $0xb8;
	[tilespmem:$0x14500] =	vst v63  }
0xb4: {  	s18 =	simm.s32 $0x5D00  }
0xb5: {  	[tilespmem:s18], [sflag:$0x1] =	stream.indirect_vreg.gather [hbm4b:s11+s3], $0x80, v9, vm0, $0xb8;
	[tilespmem:$0x14500] =	vst v63  }
0xb6: {  	s5 =	simm.s32 $0x6500  }
0xb7: {  	[tilespmem:s5], [sflag:$0x1] =	stream.indirect_vreg.gather [hbm4b:s2+s3], $0x80, v8, vm0, $0xb8;
	[tilespmem:$0x14500] =	vst v63  }
0xb8: {  	s6 =	simm.s32 $0x6D00  }
0xb9: {  	[tilespmem:s6], [sflag:$0x1] =	stream.indirect_vreg.gather [hbm4b:s9+s3], $0x80, v8, vm0, $0xb8;
	[tilespmem:$0x14500] =	vst v63  }
0xba: {  	s7 =	simm.s32 $0x7500  }
0xbb: {  	[tilespmem:s7], [sflag:$0x1] =	stream.indirect_vreg.gather [hbm4b:s10+s3], $0x80, v8, vm0, $0xb8;
	[tilespmem:$0x14500] =	vst v63  }
0xbc: {  	s18 =	simm.s32 $0x7D00  }
0xbd: {  	[tilespmem:s18], [sflag:$0x1] =	stream.indirect_vreg.gather [hbm4b:s11+s3], $0x80, v8, vm0, $0xb8;
	[tilespmem:$0x14500] =	vst v63  }
0xbe: {  	v8 =	vld [tilespmem:s16+$0xFFFFFFE0];
	_ =	sdelay $0x4  }
0xbf: {  	v61 =	vshll.u32 v8, $0x3  }
0xc0: {  	v8 =	vand.u32 $0x7, v8;
	v9 =	vand.u32 $0xFFFFFFC0, v61  }
0xc1: {  	v8 =	vor.u32 v8, v9  }
0xc2: {  	v9 =	vperm.xlane v8, v1;
	_ =	sdelay $0x1  }
0xc3: {  	v9 =	vadd.s32 v4, v9;
	_ =	sdelay $0x3  }
0xc4: {  	s5 =	simm.s32 $0x8500  }
0xc5: {  	[tilespmem:s5], [sflag:$0x1] =	stream.indirect_vreg.gather [hbm4b:s2+s3], $0x80, v9, vm0, $0xb8;
	[tilespmem:$0x14500] =	vst v63  }
0xc6: {  	s6 =	simm.s32 $0x8D00;
	v8 =	vperm.xlane v8, v6  }
0xc7: {  	[tilespmem:s6], [sflag:$0x1] =	stream.indirect_vreg.gather [hbm4b:s9+s3], $0x80, v9, vm0, $0xb8;
	[tilespmem:$0x14500] =	vst v63  }
0xc8: {  	s7 =	simm.s32 $0x9500;
	v8 =	vadd.s32 v4, v8  }
0xc9: {  	[tilespmem:s7], [sflag:$0x1] =	stream.indirect_vreg.gather [hbm4b:s10+s3], $0x80, v9, vm0, $0xb8;
	[tilespmem:$0x14500] =	vst v63  }
0xca: {  	s18 =	simm.s32 $0x9D00  }
0xcb: {  	[tilespmem:s18], [sflag:$0x1] =	stream.indirect_vreg.gather [hbm4b:s11+s3], $0x80, v9, vm0, $0xb8;
	[tilespmem:$0x14500] =	vst v63  }
0xcc: {  	s5 =	simm.s32 $0xA500  }
0xcd: {  	[tilespmem:s5], [sflag:$0x1] =	stream.indirect_vreg.gather [hbm4b:s2+s3], $0x80, v8, vm0, $0xb8;
	[tilespmem:$0x14500] =	vst v63  }
0xce: {  	s6 =	simm.s32 $0xAD00  }
0xcf: {  	[tilespmem:s6], [sflag:$0x1] =	stream.indirect_vreg.gather [hbm4b:s9+s3], $0x80, v8, vm0, $0xb8;
	[tilespmem:$0x14500] =	vst v63  }
0xd0: {  	s7 =	simm.s32 $0xB500  }
0xd1: {  	[tilespmem:s7], [sflag:$0x1] =	stream.indirect_vreg.gather [hbm4b:s10+s3], $0x80, v8, vm0, $0xb8;
	[tilespmem:$0x14500] =	vst v63  }
0xd2: {  	s18 =	simm.s32 $0xBD00  }
0xd3: {  	[tilespmem:s18], [sflag:$0x1] =	stream.indirect_vreg.gather [hbm4b:s11+s3], $0x80, v8, vm0, $0xb8;
	[tilespmem:$0x14500] =	vst v63  }
0xd4: {  	_ =	swait.ge [sflag:s1], $0x8000  }
0xd5: {  	[sflag:s1] =	ssyncset.done $0x0  }
0xd6: {  	[sflag:s1] =	ssyncadd.s32 $0xFFFF8000  }
0xd7: {  	_ =	swait.ge [sflag:s1], $0x8000  }
0xd8: {  	[sflag:s1] =	ssyncset.done $0x0  }
0xd9: {  	[sflag:s1] =	ssyncadd.s32 $0xFFFF8000  }
0xda: {  	_ =	swait.ge [sflag:s1], $0x8000  }
0xdb: {  	[sflag:s1] =	ssyncset.done $0x0  }
0xdc: {  	[sflag:s1] =	ssyncadd.s32 $0xFFFF8000  }
0xdd: {  	_ =	swait.ge [sflag:s1], $0x8000  }
0xde: {  	[sflag:s1] =	ssyncset.done $0x0  }
0xdf: {  	[sflag:s1] =	ssyncadd.s32 $0xFFFF8000  }
0xe0: {  	v8 =	vld [tilespmem:s16+$0xFFFFFFF0];
	_ =	sdelay $0x4  }
0xe1: {  	v62 =	vshll.u32 v8, $0x3  }
0xe2: {  	v8 =	vand.u32 $0x7, v8;
	v9 =	vand.u32 $0xFFFFFFC0, v62  }
0xe3: {  	v8 =	vor.u32 v8, v9  }
0xe4: {  	v9 =	vperm.xlane v8, v1;
	_ =	sdelay $0x1  }
0xe5: {  	v9 =	vadd.s32 v4, v9;
	_ =	sdelay $0x4  }
0xe6: {  	[tilespmem:s19], [sflag:$0x2] =	stream.indirect_vreg.gather [hbm4b:s2+s3], $0x80, v9, vm0, $0xb8;
	[tilespmem:$0x14500] =	vst v63  }
0xe7: {  	s5 =	simm.s32 $0xCD00;
	v8 =	vperm.xlane v8, v6  }
0xe8: {  	[tilespmem:s5], [sflag:$0x2] =	stream.indirect_vreg.gather [hbm4b:s9+s3], $0x80, v9, vm0, $0xb8;
	[tilespmem:$0x14500] =	vst v63  }
0xe9: {  	s6 =	simm.s32 $0xD500;
	v8 =	vadd.s32 v4, v8  }
0xea: {  	[tilespmem:s6], [sflag:$0x2] =	stream.indirect_vreg.gather [hbm4b:s10+s3], $0x80, v9, vm0, $0xb8;
	[tilespmem:$0x14500] =	vst v63  }
0xeb: {  	s7 =	simm.s32 $0xDD00  }
0xec: {  	[tilespmem:s7], [sflag:$0x2] =	stream.indirect_vreg.gather [hbm4b:s11+s3], $0x80, v9, vm0, $0xb8;
	[tilespmem:$0x14500] =	vst v63  }
0xed: {  	s18 =	simm.s32 $0xE500  }
0xee: {  	[tilespmem:s18], [sflag:$0x2] =	stream.indirect_vreg.gather [hbm4b:s2+s3], $0x80, v8, vm0, $0xb8;
	[tilespmem:$0x14500] =	vst v63  }
0xef: {  	_ = 	snop  }
0xf0: {  	[tilespmem:s8], [sflag:$0x2] =	stream.indirect_vreg.gather [hbm4b:s9+s3], $0x80, v8, vm0, $0xb8;
	[tilespmem:$0x14500] =	vst v63  }
0xf1: {  	_ = 	snop  }
0xf2: {  	[tilespmem:s12], [sflag:$0x2] =	stream.indirect_vreg.gather [hbm4b:s10+s3], $0x80, v8, vm0, $0xb8;
	[tilespmem:$0x14500] =	vst v63  }
0xf3: {  	_ = 	snop  }
0xf4: {  	[tilespmem:s15], [sflag:$0x2] =	stream.indirect_vreg.gather [hbm4b:s11+s3], $0x80, v8, vm0, $0xb8;
	[tilespmem:$0x14500] =	vst v63  }
0xf5: {  	v8 =	vld [tilespmem:s16+$0x0];
	_ =	sdelay $0x4  }
0xf6: {  	v63 =	vshll.u32 v8, $0x3  }
0xf7: {  	v8 =	vand.u32 $0x7, v8;
	v9 =	vand.u32 $0xFFFFFFC0, v63  }
0xf8: {  	v8 =	vor.u32 v8, v9  }
0xf9: {  	v9 =	vperm.xlane v8, v1;
	_ =	sdelay $0x1  }
0xfa: {  	v9 =	vadd.s32 v4, v9;
	_ =	sdelay $0x4  }
0xfb: {  	[tilespmem:s21], [sflag:$0x2] =	stream.indirect_vreg.gather [hbm4b:s2+s3], $0x80, v9, vm0, $0xb8;
	[tilespmem:$0x14500] =	vst v63  }
0xfc: {  	v8 =	vperm.xlane v8, v6  }
0xfd: {  	[tilespmem:s22], [sflag:$0x2] =	stream.indirect_vreg.gather [hbm4b:s9+s3], $0x80, v9, vm0, $0xb8;
	[tilespmem:$0x14500] =	vst v63  }
0xfe: {  	v8 =	vadd.s32 v4, v8  }
0xff: {  	[tilespmem:s23], [sflag:$0x2] =	stream.indirect_vreg.gather [hbm4b:s10+s3], $0x80, v9, vm0, $0xb8;
	[tilespmem:$0x14500] =	vst v63  }
0x100: {  	_ = 	snop  }
0x101: {  	[tilespmem:s24], [sflag:$0x2] =	stream.indirect_vreg.gather [hbm4b:s11+s3], $0x80, v9, vm0, $0xb8;
	[tilespmem:$0x14500] =	vst v63  }
0x102: {  	s17 =	sadd.s32 $0x2000, s17  }
0x103: {  	[tilespmem:s25], [sflag:$0x2] =	stream.indirect_vreg.gather [hbm4b:s2+s3], $0x80, v8, vm0, $0xb8;
	[tilespmem:$0x14500] =	vst v63  }
0x104: {  	p0 =	sne.s32 s17, $0x8000  }
0x105: {  	[tilespmem:s26], [sflag:$0x2] =	stream.indirect_vreg.gather [hbm4b:s9+s3], $0x80, v8, vm0, $0xb8;
	[tilespmem:$0x14500] =	vst v63  }
.Ltmp3:
0x106: {  	_ = 	snop;
	(pc) =	sbr.rel @p0 .LBB2_2-.Ltmp3, $4  }
0x107: {  	_ = 	snop  }
0x108: {  	[tilespmem:s28], [sflag:$0x2] =	stream.indirect_vreg.gather [hbm4b:s10+s3], $0x80, v8, vm0, $0xb8;
	[tilespmem:$0x14500] =	vst v63  }
0x109: {  	s16 =	sadd.s32 $0x40, s16  }
0x10a: {  	[tilespmem:s29], [sflag:$0x2] =	stream.indirect_vreg.gather [hbm4b:s11+s3], $0x80, v8, vm0, $0xb8;
	[tilespmem:$0x14500] =	vst v63  }
.LBB2_4:
0x10b: {  	_ =	swait.ge [sflag:s0], $0x8000  }
0x10c: {  	[sflag:s0] =	ssyncset.done $0x0  }
0x10d: {  	[sflag:s0] =	ssyncadd.s32 $0xFFFF8000  }
0x10e: {  	_ =	swait.ge [sflag:s0], $0x8000  }
0x10f: {  	[sflag:s0] =	ssyncset.done $0x0  }
0x110: {  	[sflag:s0] =	ssyncadd.s32 $0xFFFF8000  }
0x111: {  	_ =	swait.ge [sflag:s0], $0x8000  }
0x112: {  	[sflag:s0] =	ssyncset.done $0x0  }
0x113: {  	[sflag:s0] =	ssyncadd.s32 $0xFFFF8000  }
0x114: {  	_ =	swait.ge [sflag:s0], $0x8000  }
0x115: {  	[sflag:s0] =	ssyncset.done $0x0  }
0x116: {  	[sflag:s0] =	ssyncadd.s32 $0xFFFF8000  }
0x117: {  	_ =	swait.ge [sflag:s1], $0x8000  }
0x118: {  	[sflag:s1] =	ssyncset.done $0x0  }
0x119: {  	[sflag:s1] =	ssyncadd.s32 $0xFFFF8000  }
0x11a: {  	_ =	swait.ge [sflag:s1], $0x8000  }
0x11b: {  	[sflag:s1] =	ssyncset.done $0x0  }
0x11c: {  	[sflag:s1] =	ssyncadd.s32 $0xFFFF8000  }
0x11d: {  	_ =	swait.ge [sflag:s1], $0x8000  }
.Ltmp4:
0x11e: {  	[sflag:s1] =	ssyncset.done $0x0;
	(pc) =	sbr.rel .LBB2_5-.Ltmp4, $4  }
0x11f: {  	[sflag:s1] =	ssyncadd.s32 $0xFFFF8000  }
0x120: {  	_ =	swait.ge [sflag:s1], $0x8000  }
0x121: {  	s16 =	simm.s32 $0x0;
	[sflag:s1] =	ssyncset.done $0x0  }
0x122: {  	s17 =	simm.s32 $0x0;
	s18 =	simm.s32 $0x0;
	[sflag:s1] =	ssyncadd.s32 $0xFFFF8000  }
.LBB2_7:
0x123: {  	s18 =	sadd.s32 $0x800, s18  }
0x124: {  	p0 =	sne.s32 s18, $0x8000  }
.Ltmp5:
0x125: {  	_ = 	snop;
	(pc) =	sbr.rel @!p0 .LBB2_8-.Ltmp5, $2  }
0x126: {  	_ =	sdelay $0x2  }
0x127: {  	s17 =	sadd.s32 $0x10, s17;
	s16 =	sadd.s32 $0x10, s16  }
.LBB2_5:
0x128: {  	v12 =	vld [tilespmem:s16+$0x0];
	s4 =	sand.u32 $0xF0, s17  }
0x129: {  	v11 =	vld [tilespmem:s4+$0x100];
	_ =	sdelay $0x1  }
0x12a: {  	v10 =	vld [tilespmem:s4+$0x200];
	_ =	sdelay $0x1  }
0x12b: {  	v8 =	vld [tilespmem:s4+$0x300]  }
0x12c: {  	vm1 =	vlt.s32 v12, v11  }
0x12d: {  	v9 =	vsel vm1, v12, v11  }
0x12e: {  	vm1 =	vlt.s32 v9, v10  }
0x12f: {  	v9 =	vsel vm1, v9, v10  }
0x130: {  	vm1 =	vlt.s32 v9, v8  }
0x131: {  	v9 =	vsel vm1, v9, v8  }
0x132: {  	v13 =	vperm.xlane v9, v2;
	_ =	sdelay $0x1  }
0x133: {  	vm1 =	vlt.s32 v9, v13  }
0x134: {  	v9 =	vsel vm1, v9, v13  }
0x135: {  	v13 =	vperm.xlane v9, v3;
	_ =	sdelay $0x1  }
0x136: {  	vm1 =	vlt.s32 v9, v13  }
0x137: {  	v9 =	vsel vm1, v9, v13  }
0x138: {  	v13 =	vperm.xlane v9, v5;
	_ =	sdelay $0x1  }
0x139: {  	vm1 =	vlt.s32 v9, v13  }
0x13a: {  	v9 =	vsel vm1, v9, v13  }
0x13b: {  	v13 =	vperm.xlane v9, v7;
	_ =	sdelay $0x1  }
0x13c: {  	vm1 =	vlt.s32 v9, v13  }
0x13d: {  	v9 =	vsel vm1, v9, v13  }
0x13e: {  	(v2sf) =	vpush v9, $0x0;
	_ =	sdelay $0xe  }
0x13f: {  	s7 =	spop (v2sf)  }
0x140: {  	p0 =	sne.s32 s7, $0x0  }
.Ltmp6:
0x141: {  	_ = 	snop;
	(pc) =	sbr.rel @p0 .LBB2_7-.Ltmp6, $1  }
0x142: {  	_ =	sdelay $0x3  }
0x143: {  	v9 =	vperm.xlane v12, v2;
	_ =	sdelay $0x1  }
0x144: {  	vm1 =	vlt.s32 v12, v9  }
0x145: {  	v9 =	vsel vm1, v12, v9  }
0x146: {  	v13 =	vperm.xlane v9, v3;
	_ =	sdelay $0x1  }
0x147: {  	vm1 =	vlt.s32 v9, v13  }
0x148: {  	v9 =	vsel vm1, v9, v13  }
0x149: {  	v13 =	vperm.xlane v9, v5;
	_ =	sdelay $0x1  }
0x14a: {  	vm1 =	vlt.s32 v9, v13  }
0x14b: {  	v9 =	vsel vm1, v9, v13  }
0x14c: {  	v13 =	vperm.xlane v9, v7;
	_ =	sdelay $0x1  }
0x14d: {  	vm1 =	vlt.s32 v9, v13  }
0x14e: {  	v9 =	vsel vm1, v9, v13  }
0x14f: {  	(v2sf) =	vpush v9, $0x0;
	_ =	sdelay $0xe  }
0x150: {  	s4 =	spop (v2sf)  }
0x151: {  	s5 =	sadd.s32 s17, s14;
	p1 =	sne.s32 s4, $0x0  }
0x152: {  	v9 =	vadd.s32 s5, v0;
	vm1 =	veq.s32 @!p1 v12, $0x0  }
0x153: {  	v12 =	vsel @!p1 vm1, $0x0, v9  }
0x154: {  	v13 =	vshll.u32 @!p1 v12, $0x3  }
0x155: {  	v14 =	vlaneseq.u32 @!p1;
	v12 =	vand.u32 @!p1 $0x7, v12;
	v13 =	vand.u32 @!p1 $0xFFFFFFC0, v13  }
0x156: {  	v15 =	vshrl.u32 @!p1 v14, $0x3;
	v12 =	vor.u32 @!p1 v12, v13;
	v13 =	vand.u32 @!p1 $0x7, v14  }
0x157: {  	v15 =	vmul.u32 @!p1 $0x8, v15;
	v13 =	vperm.xlane @!p1 v12, v13;
	_ =	sdelay $0x1  }
0x158: {  	v13 =	vadd.s32 @!p1 v15, v13;
	_ =	sdelay $0x3  }
0x159: {  	s4 =	simm.s32 @!p1 $0x0;
	s5 =	simm.s32 @!p1 $0x500;
	vm1 =	vmmov @!p1 $0xffff  }
0x15a: {  	v14 =	vor.u32 @!p1 $0x8, v14;
	[tilespmem:s5], [sflag:$0x5] =	stream.indirect_vreg.gather @!p1 [hbm4b:s2+s4], $0x80, v13, vm1, $0xb8;
	[tilespmem:$0x14500] =	vst v63  }
0x15b: {  	s6 =	simm.s32 @!p1 $0xD00;
	v12 =	vperm.xlane @!p1 v12, v14  }
0x15c: {  	[tilespmem:s6], [sflag:$0x5] =	stream.indirect_vreg.gather @!p1 [hbm4b:s9+s4], $0x80, v13, vm1, $0xb8;
	[tilespmem:$0x14500] =	vst v63  }
0x15d: {  	v12 =	vadd.s32 @!p1 v15, v12;
	s6 =	simm.s32 @!p1 $0x1500  }
0x15e: {  	[tilespmem:s6], [sflag:$0x5] =	stream.indirect_vreg.gather @!p1 [hbm4b:s10+s4], $0x80, v13, vm1, $0xb8;
	[tilespmem:$0x14500] =	vst v63  }
0x15f: {  	v55 =	vperm.xlane v11, v2;
	s6 =	simm.s32 @!p1 $0x1D00  }
0x160: {  	[tilespmem:s6], [sflag:$0x5] =	stream.indirect_vreg.gather @!p1 [hbm4b:s11+s4], $0x80, v13, vm1, $0xb8;
	[tilespmem:$0x14500] =	vst v63  }
0x161: {  	vm2 =	vlt.s32 v11, v55;
	s6 =	simm.s32 @!p1 $0x2500  }
0x162: {  	v56 =	vsel vm2, v11, v55;
	[tilespmem:s6], [sflag:$0x5] =	stream.indirect_vreg.gather @!p1 [hbm4b:s2+s4], $0x80, v12, vm1, $0xb8;
	[tilespmem:$0x14500] =	vst v63  }
0x163: {  	v14 =	vperm.xlane v56, v3;
	s6 =	simm.s32 @!p1 $0x2D00  }
0x164: {  	[tilespmem:s6], [sflag:$0x5] =	stream.indirect_vreg.gather @!p1 [hbm4b:s9+s4], $0x80, v12, vm1, $0xb8;
	[tilespmem:$0x14500] =	vst v63  }
0x165: {  	vm2 =	vlt.s32 v56, v14;
	s6 =	simm.s32 @!p1 $0x3500  }
0x166: {  	v13 =	vsel vm2, v56, v14;
	[tilespmem:s6], [sflag:$0x5] =	stream.indirect_vreg.gather @!p1 [hbm4b:s10+s4], $0x80, v12, vm1, $0xb8;
	[tilespmem:$0x14500] =	vst v63  }
0x167: {  	v14 =	vperm.xlane v13, v5;
	s6 =	simm.s32 @!p1 $0x3D00  }
0x168: {  	[tilespmem:s6], [sflag:$0x5] =	stream.indirect_vreg.gather @!p1 [hbm4b:s11+s4], $0x80, v12, vm1, $0xb8;
	[tilespmem:$0x14500] =	vst v63  }
0x169: {  	s6 =	simm.s32 @!p1 $0x5;
	vm1 =	vlt.s32 v13, v14  }
0x16a: {  	_ =	swait.ge @!p1 [sflag:s6], $0x4000;
	v57 =	vsel vm1, v13, v14  }
0x16b: {  	[sflag:s6] =	ssyncset.done @!p1 $0x0;
	v13 =	vperm.xlane v57, v7  }
0x16c: {  	s7 =	sadd.s32 @!p1 s18, s13;
	[sflag:s6] =	ssyncadd.s32 @!p1 $0xFFFFC000  }
0x16d: {  	[hbm4b:s7+s4] =	stream.linear.scatter @!p1 [tilespmem:s5], [sflag:$0x5], $0x4000, $0x38;
	vm1 =	vlt.s32 v57, v13;
	[tilespmem:$0x14500] =	vst v63  }
0x16e: {  	_ =	swait.ge @!p1 [sflag:s6], $0x4000;
	v12 =	vsel vm1, v57, v13  }
0x16f: {  	(v2sf) =	vpush v12, $0x0;
	_ =	sdelay $0xe  }
0x170: {  	s7 =	spop (v2sf)  }
0x171: {  	p0 =	sne.s32 s7, $0x0  }
0x172: {  	vm1 =	veq.s32 @!p0 v11, $0x0  }
0x173: {  	v11 =	vsel @!p0 vm1, $0x0, v9  }
0x174: {  	v12 =	vshll.u32 @!p0 v11, $0x3  }
0x175: {  	v13 =	vlaneseq.u32 @!p0;
	v11 =	vand.u32 @!p0 $0x7, v11;
	v12 =	vand.u32 @!p0 $0xFFFFFFC0, v12  }
0x176: {  	v14 =	vshrl.u32 @!p0 v13, $0x3;
	v11 =	vor.u32 @!p0 v11, v12;
	v12 =	vand.u32 @!p0 $0x7, v13  }
0x177: {  	v14 =	vmul.u32 @!p0 $0x8, v14;
	v12 =	vperm.xlane @!p0 v11, v12;
	_ =	sdelay $0x1  }
0x178: {  	v12 =	vadd.s32 @!p0 v14, v12;
	_ =	sdelay $0x2  }
0x179: {  	[sflag:s6] =	ssyncset.done @!p1 $0x0  }
0x17a: {  	[sflag:s6] =	ssyncadd.s32 @!p1 $0xFFFFC000;
	s4 =	simm.s32 @!p0 $0x0;
	s5 =	simm.s32 @!p0 $0x500;
	vm1 =	vmmov @!p0 $0xffff  }
0x17b: {  	v13 =	vor.u32 @!p0 $0x8, v13;
	[tilespmem:s5], [sflag:$0x5] =	stream.indirect_vreg.gather @!p0 [hbm4b:s2+s4], $0x80, v12, vm1, $0xb8;
	[tilespmem:$0x14500] =	vst v63  }
0x17c: {  	s6 =	simm.s32 @!p0 $0xD00;
	v11 =	vperm.xlane @!p0 v11, v13  }
0x17d: {  	[tilespmem:s6], [sflag:$0x5] =	stream.indirect_vreg.gather @!p0 [hbm4b:s9+s4], $0x80, v12, vm1, $0xb8;
	[tilespmem:$0x14500] =	vst v63  }
0x17e: {  	v11 =	vadd.s32 @!p0 v14, v11;
	s6 =	simm.s32 @!p0 $0x1500  }
0x17f: {  	[tilespmem:s6], [sflag:$0x5] =	stream.indirect_vreg.gather @!p0 [hbm4b:s10+s4], $0x80, v12, vm1, $0xb8;
	[tilespmem:$0x14500] =	vst v63  }
0x180: {  	v58 =	vperm.xlane v10, v2;
	s6 =	simm.s32 @!p0 $0x1D00  }
0x181: {  	[tilespmem:s6], [sflag:$0x5] =	stream.indirect_vreg.gather @!p0 [hbm4b:s11+s4], $0x80, v12, vm1, $0xb8;
	[tilespmem:$0x14500] =	vst v63  }
0x182: {  	vm2 =	vlt.s32 v10, v58;
	s6 =	simm.s32 @!p0 $0x2500  }
0x183: {  	v59 =	vsel vm2, v10, v58;
	[tilespmem:s6], [sflag:$0x5] =	stream.indirect_vreg.gather @!p0 [hbm4b:s2+s4], $0x80, v11, vm1, $0xb8;
	[tilespmem:$0x14500] =	vst v63  }
0x184: {  	v13 =	vperm.xlane v59, v3;
	s6 =	simm.s32 @!p0 $0x2D00  }
0x185: {  	[tilespmem:s6], [sflag:$0x5] =	stream.indirect_vreg.gather @!p0 [hbm4b:s9+s4], $0x80, v11, vm1, $0xb8;
	[tilespmem:$0x14500] =	vst v63  }
0x186: {  	vm2 =	vlt.s32 v59, v13;
	s6 =	simm.s32 @!p0 $0x3500  }
0x187: {  	v12 =	vsel vm2, v59, v13;
	[tilespmem:s6], [sflag:$0x5] =	stream.indirect_vreg.gather @!p0 [hbm4b:s10+s4], $0x80, v11, vm1, $0xb8;
	[tilespmem:$0x14500] =	vst v63  }
0x188: {  	v13 =	vperm.xlane v12, v5;
	s6 =	simm.s32 @!p0 $0x3D00  }
0x189: {  	[tilespmem:s6], [sflag:$0x5] =	stream.indirect_vreg.gather @!p0 [hbm4b:s11+s4], $0x80, v11, vm1, $0xb8;
	[tilespmem:$0x14500] =	vst v63  }
0x18a: {  	s6 =	simm.s32 @!p0 $0x5;
	vm1 =	vlt.s32 v12, v13  }
0x18b: {  	_ =	swait.ge @!p0 [sflag:s6], $0x4000;
	v60 =	vsel vm1, v12, v13  }
0x18c: {  	s7 =	sadd.s32 @!p0 s18, s13;
	[sflag:s6] =	ssyncset.done @!p0 $0x0;
	v12 =	vperm.xlane v60, v7  }
0x18d: {  	s7 =	sadd.s32 @!p0 $0x100000, s7;
	[sflag:s6] =	ssyncadd.s32 @!p0 $0xFFFFC000  }
0x18e: {  	[hbm4b:s7+s4] =	stream.linear.scatter @!p0 [tilespmem:s5], [sflag:$0x5], $0x4000, $0x38;
	vm1 =	vlt.s32 v60, v12;
	[tilespmem:$0x14500] =	vst v63  }
0x18f: {  	_ =	swait.ge @!p0 [sflag:s6], $0x4000;
	v11 =	vsel vm1, v60, v12  }
0x190: {  	(v2sf) =	vpush v11, $0x0;
	_ =	sdelay $0xe  }
0x191: {  	s5 =	spop (v2sf)  }
0x192: {  	p1 =	sne.s32 s5, $0x0  }
0x193: {  	vm1 =	veq.s32 @!p1 v10, $0x0  }
0x194: {  	v10 =	vsel @!p1 vm1, $0x0, v9  }
0x195: {  	v11 =	vshll.u32 @!p1 v10, $0x3  }
0x196: {  	v12 =	vlaneseq.u32 @!p1;
	v10 =	vand.u32 @!p1 $0x7, v10;
	v11 =	vand.u32 @!p1 $0xFFFFFFC0, v11  }
0x197: {  	v13 =	vshrl.u32 @!p1 v12, $0x3;
	v10 =	vor.u32 @!p1 v10, v11;
	v11 =	vand.u32 @!p1 $0x7, v12  }
0x198: {  	v13 =	vmul.u32 @!p1 $0x8, v13;
	v11 =	vperm.xlane @!p1 v10, v11;
	_ =	sdelay $0x1  }
0x199: {  	v11 =	vadd.s32 @!p1 v13, v11;
	_ =	sdelay $0x2  }
0x19a: {  	[sflag:s6] =	ssyncset.done @!p0 $0x0  }
0x19b: {  	[sflag:s6] =	ssyncadd.s32 @!p0 $0xFFFFC000;
	s4 =	simm.s32 @!p1 $0x0;
	s5 =	simm.s32 @!p1 $0x500;
	vm1 =	vmmov @!p1 $0xffff  }
0x19c: {  	v12 =	vor.u32 @!p1 $0x8, v12;
	[tilespmem:s5], [sflag:$0x5] =	stream.indirect_vreg.gather @!p1 [hbm4b:s2+s4], $0x80, v11, vm1, $0xb8;
	[tilespmem:$0x14500] =	vst v63  }
0x19d: {  	s6 =	simm.s32 @!p1 $0xD00;
	v10 =	vperm.xlane @!p1 v10, v12  }
0x19e: {  	[tilespmem:s6], [sflag:$0x5] =	stream.indirect_vreg.gather @!p1 [hbm4b:s9+s4], $0x80, v11, vm1, $0xb8;
	[tilespmem:$0x14500] =	vst v63  }
0x19f: {  	v10 =	vadd.s32 @!p1 v13, v10;
	s6 =	simm.s32 @!p1 $0x1500  }
0x1a0: {  	[tilespmem:s6], [sflag:$0x5] =	stream.indirect_vreg.gather @!p1 [hbm4b:s10+s4], $0x80, v11, vm1, $0xb8;
	[tilespmem:$0x14500] =	vst v63  }
0x1a1: {  	v61 =	vperm.xlane v8, v2;
	s6 =	simm.s32 @!p1 $0x1D00  }
0x1a2: {  	[tilespmem:s6], [sflag:$0x5] =	stream.indirect_vreg.gather @!p1 [hbm4b:s11+s4], $0x80, v11, vm1, $0xb8;
	[tilespmem:$0x14500] =	vst v63  }
0x1a3: {  	vm2 =	vlt.s32 v8, v61;
	s6 =	simm.s32 @!p1 $0x2500  }
0x1a4: {  	v62 =	vsel vm2, v8, v61;
	[tilespmem:s6], [sflag:$0x5] =	stream.indirect_vreg.gather @!p1 [hbm4b:s2+s4], $0x80, v10, vm1, $0xb8;
	[tilespmem:$0x14500] =	vst v63  }
0x1a5: {  	v12 =	vperm.xlane v62, v3;
	s6 =	simm.s32 @!p1 $0x2D00  }
0x1a6: {  	[tilespmem:s6], [sflag:$0x5] =	stream.indirect_vreg.gather @!p1 [hbm4b:s9+s4], $0x80, v10, vm1, $0xb8;
	[tilespmem:$0x14500] =	vst v63  }
0x1a7: {  	vm2 =	vlt.s32 v62, v12;
	s6 =	simm.s32 @!p1 $0x3500  }
0x1a8: {  	v11 =	vsel vm2, v62, v12;
	[tilespmem:s6], [sflag:$0x5] =	stream.indirect_vreg.gather @!p1 [hbm4b:s10+s4], $0x80, v10, vm1, $0xb8;
	[tilespmem:$0x14500] =	vst v63  }
0x1a9: {  	v12 =	vperm.xlane v11, v5;
	s6 =	simm.s32 @!p1 $0x3D00  }
0x1aa: {  	[tilespmem:s6], [sflag:$0x5] =	stream.indirect_vreg.gather @!p1 [hbm4b:s11+s4], $0x80, v10, vm1, $0xb8;
	[tilespmem:$0x14500] =	vst v63  }
0x1ab: {  	s6 =	simm.s32 @!p1 $0x5;
	vm1 =	vlt.s32 v11, v12  }
0x1ac: {  	_ =	swait.ge @!p1 [sflag:s6], $0x4000;
	v63 =	vsel vm1, v11, v12  }
0x1ad: {  	s7 =	sadd.s32 @!p1 s18, s13;
	[sflag:s6] =	ssyncset.done @!p1 $0x0;
	v11 =	vperm.xlane v63, v7  }
0x1ae: {  	s7 =	sadd.s32 @!p1 $0x200000, s7;
	[sflag:s6] =	ssyncadd.s32 @!p1 $0xFFFFC000  }
0x1af: {  	[hbm4b:s7+s4] =	stream.linear.scatter @!p1 [tilespmem:s5], [sflag:$0x5], $0x4000, $0x38;
	vm1 =	vlt.s32 v63, v11;
	[tilespmem:$0x14500] =	vst v63  }
0x1b0: {  	_ =	swait.ge @!p1 [sflag:s6], $0x4000;
	v10 =	vsel vm1, v63, v11  }
0x1b1: {  	(v2sf) =	vpush v10, $0x0;
	_ =	sdelay $0xe  }
0x1b2: {  	s7 =	spop (v2sf)  }
0x1b3: {  	p0 =	sne.s32 s7, $0x0  }
0x1b4: {  	vm1 =	veq.s32 @!p0 v8, $0x0  }
0x1b5: {  	v8 =	vsel @!p0 vm1, $0x0, v9  }
0x1b6: {  	v9 =	vshll.u32 @!p0 v8, $0x3  }
0x1b7: {  	v10 =	vlaneseq.u32 @!p0;
	v8 =	vand.u32 @!p0 $0x7, v8;
	v9 =	vand.u32 @!p0 $0xFFFFFFC0, v9  }
0x1b8: {  	v11 =	vshrl.u32 @!p0 v10, $0x3;
	v8 =	vor.u32 @!p0 v8, v9;
	v9 =	vand.u32 @!p0 $0x7, v10  }
0x1b9: {  	v11 =	vmul.u32 @!p0 $0x8, v11;
	v9 =	vperm.xlane @!p0 v8, v9;
	_ =	sdelay $0x1  }
0x1ba: {  	v9 =	vadd.s32 @!p0 v11, v9;
	_ =	sdelay $0x2  }
0x1bb: {  	[sflag:s6] =	ssyncset.done @!p1 $0x0  }
0x1bc: {  	[sflag:s6] =	ssyncadd.s32 @!p1 $0xFFFFC000;
	s4 =	simm.s32 @!p0 $0x0;
	s5 =	simm.s32 @!p0 $0x500;
	vm1 =	vmmov @!p0 $0xffff  }
0x1bd: {  	v10 =	vor.u32 @!p0 $0x8, v10;
	[tilespmem:s5], [sflag:$0x5] =	stream.indirect_vreg.gather @!p0 [hbm4b:s2+s4], $0x80, v9, vm1, $0xb8;
	[tilespmem:$0x14500] =	vst v63  }
0x1be: {  	s6 =	simm.s32 @!p0 $0xD00;
	v8 =	vperm.xlane @!p0 v8, v10  }
0x1bf: {  	[tilespmem:s6], [sflag:$0x5] =	stream.indirect_vreg.gather @!p0 [hbm4b:s9+s4], $0x80, v9, vm1, $0xb8;
	[tilespmem:$0x14500] =	vst v63  }
0x1c0: {  	v8 =	vadd.s32 @!p0 v11, v8;
	s6 =	simm.s32 @!p0 $0x1500  }
0x1c1: {  	[tilespmem:s6], [sflag:$0x5] =	stream.indirect_vreg.gather @!p0 [hbm4b:s10+s4], $0x80, v9, vm1, $0xb8;
	[tilespmem:$0x14500] =	vst v63  }
0x1c2: {  	s6 =	simm.s32 @!p0 $0x1D00  }
0x1c3: {  	[tilespmem:s6], [sflag:$0x5] =	stream.indirect_vreg.gather @!p0 [hbm4b:s11+s4], $0x80, v9, vm1, $0xb8;
	[tilespmem:$0x14500] =	vst v63  }
0x1c4: {  	s6 =	simm.s32 @!p0 $0x2500  }
0x1c5: {  	[tilespmem:s6], [sflag:$0x5] =	stream.indirect_vreg.gather @!p0 [hbm4b:s2+s4], $0x80, v8, vm1, $0xb8;
	[tilespmem:$0x14500] =	vst v63  }
0x1c6: {  	s6 =	simm.s32 @!p0 $0x2D00  }
0x1c7: {  	[tilespmem:s6], [sflag:$0x5] =	stream.indirect_vreg.gather @!p0 [hbm4b:s9+s4], $0x80, v8, vm1, $0xb8;
	[tilespmem:$0x14500] =	vst v63  }
0x1c8: {  	s6 =	simm.s32 @!p0 $0x3500  }
0x1c9: {  	[tilespmem:s6], [sflag:$0x5] =	stream.indirect_vreg.gather @!p0 [hbm4b:s10+s4], $0x80, v8, vm1, $0xb8;
	[tilespmem:$0x14500] =	vst v63  }
0x1ca: {  	s6 =	simm.s32 @!p0 $0x3D00  }
0x1cb: {  	[tilespmem:s6], [sflag:$0x5] =	stream.indirect_vreg.gather @!p0 [hbm4b:s11+s4], $0x80, v8, vm1, $0xb8;
	[tilespmem:$0x14500] =	vst v63  }
0x1cc: {  	s6 =	simm.s32 @!p0 $0x5  }
0x1cd: {  	_ =	swait.ge @!p0 [sflag:s6], $0x4000  }
0x1ce: {  	s7 =	sadd.s32 @!p0 s18, s13;
	[sflag:s6] =	ssyncset.done @!p0 $0x0  }
.Ltmp7:
0x1cf: {  	s7 =	sadd.s32 @!p0 $0x300000, s7;
	[sflag:s6] =	ssyncadd.s32 @!p0 $0xFFFFC000;
	(pc) =	sbr.rel .LBB2_7-.Ltmp7, $4  }
0x1d0: {  	[hbm4b:s7+s4] =	stream.linear.scatter @!p0 [tilespmem:s5], [sflag:$0x5], $0x4000, $0x38;
	[tilespmem:$0x14500] =	vst v63  }
0x1d1: {  	_ =	swait.ge @!p0 [sflag:s6], $0x4000  }
0x1d2: {  	[sflag:s6] =	ssyncset.done @!p0 $0x0  }
0x1d3: {  	[sflag:s6] =	ssyncadd.s32 @!p0 $0xFFFFC000  }
.LBB2_9:
0x1d4: {  	_ =	sfence.sel $0x180000  }
0x1d5: {  	[bflag:$0x0] =	sbarrier.arrive $0xFFFF  }
0x1d6: {  	_ =	strace $0x90000047  }
0x1d7: {  	s0 =	stileid.u32;
	[bflag:$0x2] =	sbarrier.arrive $0xFFFF  }
0x1d8: {  	p0 =	sne.s32 s0, $0x0;
	s0 =	rddreg [dreg:$0x3]  }
0x1d9: {  	s0 =	sadd.s32 @!p0 $0x100000, s0  }
0x1da: {  	[sflag:s0] =	ssyncadd.tile.s32 @!p0 $0x1;
	_ =	shalt  }
.Lfunc_end2:
_tile_overlayer_lowered:
.L_overlay_start_2:
0x1db: {  	(tag) =	ssettag $0x2  }
0x1dc: {  	s0 =	rddreg [dreg:$0x0];
	s2 =	stileid.u32  }
0x1dd: {  	s1 =	rddreg [dreg:$0x1];
	p0 =	sne.s32 s2, $0x0  }
0x1de: {  	s3 =	rddreg [dreg:$0x2];
	[bflag:$0x3] =	sbarrier.arrive $0xFFFF;
	s2 =	simm.s32 @!p0 $0x1C06  }
0x1df: {  	[timem:s3], [sflag:s2] =	dma.local @!p0 [hbm:s0], s1  }
0x1e0: {  	s0 =	simm.s32 @!p0 $0x6  }
0x1e1: {  	_ =	swait.ge @!p0 [sflag:s0], s1  }
0x1e2: {  	s1 =	ssub.s32 @!p0 $0x0, s1;
	[sflag:s0] =	ssyncset.done @!p0 $0x0  }
0x1e3: {  	[sflag:s0] =	ssyncadd.s32 @!p0 s1  }
0x1e4: {  	[bflag:$0x3] =	sbarrier.arrive $0xFFFF  }
0x1e5: {  	_ =	shalt  }

</sc_bundles>
